<compile_context>
chip_gen: v7x
topology: tpu7x:2x2x1
jax: 0.10.2.dev20260603
libtpu: 0.0.44.dev20260713+nightly
codegen_flags: <defaults>
</compile_context>

<pallas_src>
import functools

import jax
import jax.numpy as jnp
from jax import lax
from jax.experimental import pallas as pl
from jax.experimental.pallas import tpu as pltpu
from jax.experimental.pallas import tpu_sc as plsc

B, INPUT_DIM, K, L, D_C = 16384, 256, 4, 1024, 64
D_PAD = 128
BM = 512


def _encode(x_ref, w1_ref, b1_ref, w2_ref, b2_ref, w3_ref, b3_ref,
            g_ref, bb_ref, cb_ref,
            toks_ref, gidx_ref, e_ref, cbt_ref, cbn_ref):
    pid = pl.program_id(0)
    x = x_ref[...]
    g = g_ref[...]
    bb = bb_ref[...]

    @pl.when(pid == 0)
    def _norm_codebooks():
        for k in range(K):
            cb = cb_ref[k]
            cbn = cb * (1.0 / jnp.maximum(
                jnp.sqrt(jnp.sum(cb * cb, axis=-1, keepdims=True)), 1e-12))
            cbn_ref[k] = cbn
            cbt_ref[k * L:(k + 1) * L, :] = jnp.concatenate(
                [cbn, jnp.zeros((L, D_PAD - D_C), jnp.float32)], axis=1)

    idx_cols = []
    e_cols = []
    for k in range(K):
        h = jnp.maximum(x @ w1_ref[k] + b1_ref[k], 0.0)
        h = jnp.maximum(h @ w2_ref[k] + b2_ref[k], 0.0)
        e = h @ w3_ref[k] + b3_ref[k]
        m = e.mean(axis=-1, keepdims=True)
        v = ((e - m) ** 2).mean(axis=-1, keepdims=True)
        e = (e - m) * (1.0 / jnp.sqrt(v + 1e-5)) * g + bb
        e_cols.append(e)
        en = e * (1.0 / jnp.maximum(
            jnp.sqrt(jnp.sum(e * e, axis=-1, keepdims=True)), 1e-12))
        sim = jax.lax.dot_general(en, cbn_ref[k], (((1,), (1,)), ((), ())))
        dist = 1.0 - sim
        idx = jnp.argmin(dist, axis=1).reshape(BM, 1).astype(jnp.int32)
        idx_cols.append(idx)

    toks = jnp.concatenate(idx_cols, axis=1)
    toks_ref[...] = toks
    off = jax.lax.broadcasted_iota(jnp.int32, (BM, K), 1) * L
    gidx_ref[...] = toks + off
    e_ref[...] = jnp.concatenate(e_cols, axis=1)


def _encode_call(x, enc_w1, b1, enc_w2, b2, enc_w3, b3, g, bb, codebooks):
    def rep(a):
        return pl.BlockSpec(a.shape, lambda i: (0,) * a.ndim)

    return pl.pallas_call(
        _encode,
        grid=(B // BM,),
        in_specs=[
            pl.BlockSpec((BM, INPUT_DIM), lambda i: (i, 0)),
            rep(enc_w1), rep(b1), rep(enc_w2), rep(b2), rep(enc_w3), rep(b3),
            rep(g), rep(bb), rep(codebooks),
        ],
        out_specs=[
            pl.BlockSpec((BM, K), lambda i: (i, 0)),
            pl.BlockSpec((BM, K), lambda i: (i, 0)),
            pl.BlockSpec((BM, K * D_C), lambda i: (i, 0)),
            pl.BlockSpec((K * L, D_PAD), lambda i: (0, 0)),
        ],
        out_shape=[
            jax.ShapeDtypeStruct((B, K), jnp.int32),
            jax.ShapeDtypeStruct((B, K), jnp.int32),
            jax.ShapeDtypeStruct((B, K * D_C), jnp.float32),
            jax.ShapeDtypeStruct((K * L, D_PAD), jnp.float32),
        ],
        scratch_shapes=[pltpu.VMEM((K, L, D_C), jnp.float32)],
    )(x, enc_w1, b1, enc_w2, b2, enc_w3, b3, g, bb, codebooks)


_NW = 32
_ROWS_W = (B * K) // _NW
_CH = 512


@functools.partial(
    pl.kernel,
    mesh=plsc.VectorSubcoreMesh(core_axis_name="c", subcore_axis_name="s"),
    out_type=jax.ShapeDtypeStruct((B * K, D_PAD), jnp.float32),
    scratch_types=[
        pltpu.VMEM((_CH,), jnp.int32),
        pltpu.VMEM((_CH, D_PAD), jnp.float32),
        pltpu.SemaphoreType.DMA,
    ],
)
def _sc_gather(cbt_hbm, gidx_hbm, out_hbm, idx_v, rows_v, sem):
    wid = lax.axis_index("s") * 2 + lax.axis_index("c")
    for c in range(_ROWS_W // _CH):
        base = wid * _ROWS_W + c * _CH
        pltpu.sync_copy(gidx_hbm.at[pl.ds(base, _CH)], idx_v)
        pltpu.async_copy(cbt_hbm.at[idx_v], rows_v, sem).wait()
        pltpu.sync_copy(rows_v, out_hbm.at[pl.ds(base, _CH)])


def _decode(x_ref, e_ref, q_ref, dw1_ref, db1_ref, dw2_ref, db2_ref,
            dw3_ref, db3_ref, rec_ref, rl_ref, cl_ref):
    pid = pl.program_id(0)
    x = x_ref[...]
    q_all = q_ref[...].reshape(BM, K, D_PAD)

    acc_q = jnp.zeros((BM, D_C), jnp.float32)
    cb_loss = jnp.float32(0.0)
    for k in range(K):
        e = e_ref[:, k * D_C:(k + 1) * D_C]
        q = q_all[:, k, :D_C]
        q_st = e + (q - e)
        acc_q = acc_q + q_st
        d = e - q_st
        cb_loss = cb_loss + jnp.sum(d * d)

    avg_q = acc_q * (1.0 / K)
    h = jnp.maximum(avg_q @ dw1_ref[...] + db1_ref[...], 0.0)
    h = jnp.maximum(h @ dw2_ref[...] + db2_ref[...], 0.0)
    rec = h @ dw3_ref[...] + db3_ref[...]
    rec_ref[...] = rec

    r = rec - x
    rl_blk = jnp.sum(r * r) * (1.0 / (B * INPUT_DIM))
    cl_blk = cb_loss * (1.0 / (B * D_C))

    @pl.when(pid == 0)
    def _init():
        rl_ref[...] = jnp.zeros((1, 1), jnp.float32)
        cl_ref[...] = jnp.zeros((1, 1), jnp.float32)

    rl_ref[...] += jnp.reshape(rl_blk, (1, 1))
    cl_ref[...] += jnp.reshape(cl_blk, (1, 1))


def _decode_call(x, e, q, dec_w1, db1, dec_w2, db2, dec_w3, db3):
    def rep(a):
        return pl.BlockSpec(a.shape, lambda i: (0,) * a.ndim)

    return pl.pallas_call(
        _decode,
        grid=(B // BM,),
        in_specs=[
            pl.BlockSpec((BM, INPUT_DIM), lambda i: (i, 0)),
            pl.BlockSpec((BM, K * D_C), lambda i: (i, 0)),
            pl.BlockSpec((BM * K, D_PAD), lambda i: (i, 0)),
            rep(dec_w1), rep(db1), rep(dec_w2), rep(db2), rep(dec_w3), rep(db3),
        ],
        out_specs=[
            pl.BlockSpec((BM, INPUT_DIM), lambda i: (i, 0)),
            pl.BlockSpec((1, 1), lambda i: (0, 0)),
            pl.BlockSpec((1, 1), lambda i: (0, 0)),
        ],
        out_shape=[
            jax.ShapeDtypeStruct((B, INPUT_DIM), jnp.float32),
            jax.ShapeDtypeStruct((1, 1), jnp.float32),
            jax.ShapeDtypeStruct((1, 1), jnp.float32),
        ],
    )(x, e, q, dec_w1, db1, dec_w2, db2, dec_w3, db3)


def kernel(x, enc_w1, enc_b1, enc_w2, enc_b2, enc_w3, enc_b3, ln_g, ln_b,
           codebooks, dec_w1, dec_b1, dec_w2, dec_b2, dec_w3, dec_b3):
    b1 = enc_b1[:, None, :]
    b2 = enc_b2[:, None, :]
    b3 = enc_b3[:, None, :]
    g = ln_g[None, :]
    bb = ln_b[None, :]
    db1 = dec_b1[None, :]
    db2 = dec_b2[None, :]
    db3 = dec_b3[None, :]

    toks, gidx, e, cbt = _encode_call(
        x, enc_w1, b1, enc_w2, b2, enc_w3, b3, g, bb, codebooks)
    q = _sc_gather(cbt, gidx.reshape(B * K))
    rec, rl, cl = _decode_call(x, e, q, dec_w1, db1, dec_w2, db2, dec_w3, db3)

    rl_s = rl[0, 0]
    cl_s = cl[0, 0]
    return toks, rec, rl_s, cl_s, cl_s

# --- scband reference (transcript-rebuilt; emitter-appended) ---
"""Pipeline reference for scband-mqtokenizer-56229711839526 (READ-ONLY COPY).

The authoritative reference and input builder live on the scoring server;
editing this copy changes nothing except your own understanding.
"""

import jax, jax.numpy as jnp
import numpy as np

B, INPUT_DIM, K, L, D_C = 16384, 256, 4, 1024, 64


def _l2n(x, eps=1e-12):
    n = jnp.linalg.norm(x, axis=-1, keepdims=True)
    return x / jnp.maximum(n, eps)


def _ln(x, g, b, eps=1e-5):
    m = x.mean(-1, keepdims=True)
    v = ((x - m) ** 2).mean(-1, keepdims=True)
    return (x - m) / jnp.sqrt(v + eps) * g + b


def setup_inputs(seed: int = 0) -> dict:
    key = jax.random.key(seed)
    ks = jax.random.split(key, 20)

    def lin(k, shape, fan_in):
        return jax.random.uniform(k, shape, jnp.float32, -1.0, 1.0) / np.sqrt(fan_in)

    return {
        "x": jax.random.normal(ks[0], (B, INPUT_DIM), jnp.float32),
        "enc_w1": lin(ks[1], (K, INPUT_DIM, 256), INPUT_DIM),
        "enc_b1": lin(ks[2], (K, 256), INPUT_DIM),
        "enc_w2": lin(ks[3], (K, 256, 128), 256),
        "enc_b2": lin(ks[4], (K, 128), 256),
        "enc_w3": lin(ks[5], (K, 128, D_C), 128),
        "enc_b3": lin(ks[6], (K, D_C), 128),
        "ln_g": jnp.ones((D_C,), jnp.float32),
        "ln_b": jnp.zeros((D_C,), jnp.float32),
        "codebooks": jax.random.normal(ks[7], (K, L, D_C), jnp.float32),
        "dec_w1": lin(ks[8], (D_C, 128), D_C),
        "dec_b1": lin(ks[9], (128,), D_C),
        "dec_w2": lin(ks[10], (128, 256), 128),
        "dec_b2": lin(ks[11], (256,), 128),
        "dec_w3": lin(ks[12], (256, INPUT_DIM), 256),
        "dec_b3": lin(ks[13], (INPUT_DIM,), 256),
    }


def reference(x, enc_w1, enc_b1, enc_w2, enc_b2, enc_w3, enc_b3, ln_g, ln_b,
              codebooks, dec_w1, dec_b1, dec_w2, dec_b2, dec_w3, dec_b3):
    # eval mode: masking is identity
    tokens, qs = [], []
    codebook_loss = jnp.float32(0.0)
    commitment_loss = jnp.float32(0.0)
    for k in range(K):
        h = jax.nn.relu(x @ enc_w1[k] + enc_b1[k])
        h = jax.nn.relu(h @ enc_w2[k] + enc_b2[k])
        e = h @ enc_w3[k] + enc_b3[k]
        e = _ln(e, ln_g, ln_b)
        en = _l2n(e)
        cbn = _l2n(codebooks[k])
        dist = 1.0 - en @ cbn.T
        idx = jnp.argmin(dist, axis=1)
        q = jnp.take(cbn, idx, axis=0)
        q_st = e + jax.lax.stop_gradient(q - e)  # straight-through
        codebook_loss = codebook_loss + jnp.mean((jax.lax.stop_gradient(e) - q_st) ** 2)
        commitment_loss = commitment_loss + jnp.mean((e - jax.lax.stop_gradient(q_st)) ** 2)
        tokens.append(idx)
        qs.append(q_st)
    avg_q = jnp.stack(qs, axis=1).mean(axis=1)
    h = jax.nn.relu(avg_q @ dec_w1 + dec_b1)
    h = jax.nn.relu(h @ dec_w2 + dec_b2)
    reconstructed = h @ dec_w3 + dec_b3
    recon_loss = jnp.mean((reconstructed - x) ** 2)
    toks = jnp.stack(tokens, axis=1)
    return toks, reconstructed, recon_loss, codebook_loss, commitment_loss

if __name__ == "__main__":
    import jax
    _d = setup_inputs()
    print(jax.jit(kernel)(*tuple(_d.values())))

</pallas_src>

<mosaic_0001>
#map = affine_map<(d0, d1) -> (0, 0)>
#map1 = affine_map<(d0, d1) -> (0)>
module attributes {stable_mosaic.version = 14 : i64} {
  func.func @_sc_gather(%arg0: i32, %arg1: i32, %arg2: memref<4096x128xf32, #tpu.memory_space<hbm>>, %arg3: memref<65536xi32, #tpu.memory_space<hbm>>, %arg4: memref<65536x128xf32, #tpu.memory_space<hbm>>, %arg5: memref<512xi32, #tpu.memory_space<vmem>>, %arg6: memref<512x128xf32, #tpu.memory_space<vmem>>, %arg7: memref<!tpu.dma_semaphore, #tpu.memory_space<semaphore_mem>>) attributes {dimension_semantics = [#tpu.dimension_semantics<core_parallel>, #tpu.dimension_semantics<subcore_parallel>], iteration_bounds = array<i64: 2, 16>, scalar_prefetch = 0 : i64, scratch_operands = 3 : i64, tpu.core_type = #tpu.core_type<sc_vector_subcore>, window_params = [{transform_indices = #map}, {transform_indices = #map1}, {transform_indices = #map}]} {
    %mul3A = arith.constant 2 : i32
    %mul3A_0 = arith.muli %arg1, %mul3A : i32
    %add3A = arith.addi %mul3A_0, %arg0 : i32
    %mul3A_1 = arith.constant 2048 : i32
    %mul3A_2 = arith.muli %add3A, %mul3A_1 : i32
    %add3A_3 = arith.constant 0 : i32
    %add3A_4 = arith.addi %mul3A_2, %add3A_3 : i32
    "tpu.region"() ({
      %run_scoped3A = tpu.sem_alloc : memref<!tpu.dma_semaphore, #tpu.memory_space<semaphore_mem>>
      %dma_start3A_39 = tpu.memref_slice %arg3[%add3A_4] : memref<65536xi32, #tpu.memory_space<hbm>> -> memref<512xi32, #tpu.memory_space<hbm>>
      %dma_start3A_40 = tpu.memref_slice %arg3[%add3A_4] : memref<65536xi32, #tpu.memory_space<hbm>> -> memref<512xi32, #tpu.memory_space<hbm>>
      tpu.enqueue_dma source(%dma_start3A_40 : memref<512xi32, #tpu.memory_space<hbm>>) target(%arg5 : memref<512xi32, #tpu.memory_space<vmem>>) target_semaphore(%run_scoped3A : memref<!tpu.dma_semaphore, #tpu.memory_space<semaphore_mem>>)
      %dma_wait3A_41 = tpu.memref_slice %arg3[%add3A_4] : memref<65536xi32, #tpu.memory_space<hbm>> -> memref<512xi32, #tpu.memory_space<hbm>>
      %dma_wait3A_42 = tpu.memref_slice %arg3[%add3A_4] : memref<65536xi32, #tpu.memory_space<hbm>> -> memref<512xi32, #tpu.memory_space<hbm>>
      tpu.wait_dma2 semaphore(%run_scoped3A : memref<!tpu.dma_semaphore, #tpu.memory_space<semaphore_mem>>) src(%dma_wait3A_42 : memref<512xi32, #tpu.memory_space<hbm>>) dst(%arg5 : memref<512xi32, #tpu.memory_space<vmem>>)
      tpu.yield
    }) : () -> ()
    %dma_start3A = arith.constant 0 : i32
    %dma_start3A_5 = arith.constant 0 : i32
    %dma_start3A_6 = tpu.memref_slice %arg2[%dma_start3A, %dma_start3A_5] : memref<4096x128xf32, #tpu.memory_space<hbm>> -> memref<4096x128xf32, #tpu.memory_space<hbm>>
    tpu.enqueue_indirect_dma source(%dma_start3A_6 : memref<4096x128xf32, #tpu.memory_space<hbm>>) target(%arg6 : memref<512x128xf32, #tpu.memory_space<vmem>>) offsets(%arg5 : memref<512xi32, #tpu.memory_space<vmem>>) semaphore(%arg7 : memref<!tpu.dma_semaphore, #tpu.memory_space<semaphore_mem>>)
    %dma_wait3A = arith.constant 0 : i32
    %dma_wait3A_7 = arith.constant 0 : i32
    %dma_wait3A_8 = tpu.memref_slice %arg2[%dma_wait3A, %dma_wait3A_7] : memref<4096x128xf32, #tpu.memory_space<hbm>> -> memref<4096x128xf32, #tpu.memory_space<hbm>>
    tpu.wait_indirect_dma semaphore(%arg7 : memref<!tpu.dma_semaphore, #tpu.memory_space<semaphore_mem>>) src(%dma_wait3A_8 : memref<4096x128xf32, #tpu.memory_space<hbm>>) dst(%arg6 : memref<512x128xf32, #tpu.memory_space<vmem>>)
    "tpu.region"() ({
      %run_scoped3A = tpu.sem_alloc : memref<!tpu.dma_semaphore, #tpu.memory_space<semaphore_mem>>
      %dma_start3A_39 = arith.constant 0 : i32
      %dma_start3A_40 = tpu.memref_slice %arg4[%add3A_4, %dma_start3A_39] : memref<65536x128xf32, #tpu.memory_space<hbm>> -> memref<512x128xf32, #tpu.memory_space<hbm>>
      %dma_start3A_41 = arith.constant 0 : i32
      %dma_start3A_42 = tpu.memref_slice %arg4[%add3A_4, %dma_start3A_41] : memref<65536x128xf32, #tpu.memory_space<hbm>> -> memref<512x128xf32, #tpu.memory_space<hbm>>
      tpu.enqueue_dma source(%arg6 : memref<512x128xf32, #tpu.memory_space<vmem>>) target(%dma_start3A_42 : memref<512x128xf32, #tpu.memory_space<hbm>>) target_semaphore(%run_scoped3A : memref<!tpu.dma_semaphore, #tpu.memory_space<semaphore_mem>>)
      %dma_wait3A_43 = arith.constant 0 : i32
      %dma_wait3A_44 = tpu.memref_slice %arg4[%add3A_4, %dma_wait3A_43] : memref<65536x128xf32, #tpu.memory_space<hbm>> -> memref<512x128xf32, #tpu.memory_space<hbm>>
      %dma_wait3A_45 = arith.constant 0 : i32
      %dma_wait3A_46 = tpu.memref_slice %arg4[%add3A_4, %dma_wait3A_45] : memref<65536x128xf32, #tpu.memory_space<hbm>> -> memref<512x128xf32, #tpu.memory_space<hbm>>
      tpu.wait_dma2 semaphore(%run_scoped3A : memref<!tpu.dma_semaphore, #tpu.memory_space<semaphore_mem>>) src(%arg6 : memref<512x128xf32, #tpu.memory_space<vmem>>) dst(%dma_wait3A_46 : memref<512x128xf32, #tpu.memory_space<hbm>>)
      tpu.yield
    }) : () -> ()
    %mul3A_9 = arith.constant 2048 : i32
    %mul3A_10 = arith.muli %add3A, %mul3A_9 : i32
    %add3A_11 = arith.constant 512 : i32
    %add3A_12 = arith.addi %mul3A_10, %add3A_11 : i32
    "tpu.region"() ({
      %run_scoped3A = tpu.sem_alloc : memref<!tpu.dma_semaphore, #tpu.memory_space<semaphore_mem>>
      %dma_start3A_39 = tpu.memref_slice %arg3[%add3A_12] : memref<65536xi32, #tpu.memory_space<hbm>> -> memref<512xi32, #tpu.memory_space<hbm>>
      %dma_start3A_40 = tpu.memref_slice %arg3[%add3A_12] : memref<65536xi32, #tpu.memory_space<hbm>> -> memref<512xi32, #tpu.memory_space<hbm>>
      tpu.enqueue_dma source(%dma_start3A_40 : memref<512xi32, #tpu.memory_space<hbm>>) target(%arg5 : memref<512xi32, #tpu.memory_space<vmem>>) target_semaphore(%run_scoped3A : memref<!tpu.dma_semaphore, #tpu.memory_space<semaphore_mem>>)
      %dma_wait3A_41 = tpu.memref_slice %arg3[%add3A_12] : memref<65536xi32, #tpu.memory_space<hbm>> -> memref<512xi32, #tpu.memory_space<hbm>>
      %dma_wait3A_42 = tpu.memref_slice %arg3[%add3A_12] : memref<65536xi32, #tpu.memory_space<hbm>> -> memref<512xi32, #tpu.memory_space<hbm>>
      tpu.wait_dma2 semaphore(%run_scoped3A : memref<!tpu.dma_semaphore, #tpu.memory_space<semaphore_mem>>) src(%dma_wait3A_42 : memref<512xi32, #tpu.memory_space<hbm>>) dst(%arg5 : memref<512xi32, #tpu.memory_space<vmem>>)
      tpu.yield
    }) : () -> ()
    %dma_start3A_13 = arith.constant 0 : i32
    %dma_start3A_14 = arith.constant 0 : i32
    %dma_start3A_15 = tpu.memref_slice %arg2[%dma_start3A_13, %dma_start3A_14] : memref<4096x128xf32, #tpu.memory_space<hbm>> -> memref<4096x128xf32, #tpu.memory_space<hbm>>
    tpu.enqueue_indirect_dma source(%dma_start3A_15 : memref<4096x128xf32, #tpu.memory_space<hbm>>) target(%arg6 : memref<512x128xf32, #tpu.memory_space<vmem>>) offsets(%arg5 : memref<512xi32, #tpu.memory_space<vmem>>) semaphore(%arg7 : memref<!tpu.dma_semaphore, #tpu.memory_space<semaphore_mem>>)
    %dma_wait3A_16 = arith.constant 0 : i32
    %dma_wait3A_17 = arith.constant 0 : i32
    %dma_wait3A_18 = tpu.memref_slice %arg2[%dma_wait3A_16, %dma_wait3A_17] : memref<4096x128xf32, #tpu.memory_space<hbm>> -> memref<4096x128xf32, #tpu.memory_space<hbm>>
    tpu.wait_indirect_dma semaphore(%arg7 : memref<!tpu.dma_semaphore, #tpu.memory_space<semaphore_mem>>) src(%dma_wait3A_18 : memref<4096x128xf32, #tpu.memory_space<hbm>>) dst(%arg6 : memref<512x128xf32, #tpu.memory_space<vmem>>)
    "tpu.region"() ({
      %run_scoped3A = tpu.sem_alloc : memref<!tpu.dma_semaphore, #tpu.memory_space<semaphore_mem>>
      %dma_start3A_39 = arith.constant 0 : i32
      %dma_start3A_40 = tpu.memref_slice %arg4[%add3A_12, %dma_start3A_39] : memref<65536x128xf32, #tpu.memory_space<hbm>> -> memref<512x128xf32, #tpu.memory_space<hbm>>
      %dma_start3A_41 = arith.constant 0 : i32
      %dma_start3A_42 = tpu.memref_slice %arg4[%add3A_12, %dma_start3A_41] : memref<65536x128xf32, #tpu.memory_space<hbm>> -> memref<512x128xf32, #tpu.memory_space<hbm>>
      tpu.enqueue_dma source(%arg6 : memref<512x128xf32, #tpu.memory_space<vmem>>) target(%dma_start3A_42 : memref<512x128xf32, #tpu.memory_space<hbm>>) target_semaphore(%run_scoped3A : memref<!tpu.dma_semaphore, #tpu.memory_space<semaphore_mem>>)
      %dma_wait3A_43 = arith.constant 0 : i32
      %dma_wait3A_44 = tpu.memref_slice %arg4[%add3A_12, %dma_wait3A_43] : memref<65536x128xf32, #tpu.memory_space<hbm>> -> memref<512x128xf32, #tpu.memory_space<hbm>>
      %dma_wait3A_45 = arith.constant 0 : i32
      %dma_wait3A_46 = tpu.memref_slice %arg4[%add3A_12, %dma_wait3A_45] : memref<65536x128xf32, #tpu.memory_space<hbm>> -> memref<512x128xf32, #tpu.memory_space<hbm>>
      tpu.wait_dma2 semaphore(%run_scoped3A : memref<!tpu.dma_semaphore, #tpu.memory_space<semaphore_mem>>) src(%arg6 : memref<512x128xf32, #tpu.memory_space<vmem>>) dst(%dma_wait3A_46 : memref<512x128xf32, #tpu.memory_space<hbm>>)
      tpu.yield
    }) : () -> ()
    %mul3A_19 = arith.constant 2048 : i32
    %mul3A_20 = arith.muli %add3A, %mul3A_19 : i32
    %add3A_21 = arith.constant 1024 : i32
    %add3A_22 = arith.addi %mul3A_20, %add3A_21 : i32
    "tpu.region"() ({
      %run_scoped3A = tpu.sem_alloc : memref<!tpu.dma_semaphore, #tpu.memory_space<semaphore_mem>>
      %dma_start3A_39 = tpu.memref_slice %arg3[%add3A_22] : memref<65536xi32, #tpu.memory_space<hbm>> -> memref<512xi32, #tpu.memory_space<hbm>>
      %dma_start3A_40 = tpu.memref_slice %arg3[%add3A_22] : memref<65536xi32, #tpu.memory_space<hbm>> -> memref<512xi32, #tpu.memory_space<hbm>>
      tpu.enqueue_dma source(%dma_start3A_40 : memref<512xi32, #tpu.memory_space<hbm>>) target(%arg5 : memref<512xi32, #tpu.memory_space<vmem>>) target_semaphore(%run_scoped3A : memref<!tpu.dma_semaphore, #tpu.memory_space<semaphore_mem>>)
      %dma_wait3A_41 = tpu.memref_slice %arg3[%add3A_22] : memref<65536xi32, #tpu.memory_space<hbm>> -> memref<512xi32, #tpu.memory_space<hbm>>
      %dma_wait3A_42 = tpu.memref_slice %arg3[%add3A_22] : memref<65536xi32, #tpu.memory_space<hbm>> -> memref<512xi32, #tpu.memory_space<hbm>>
      tpu.wait_dma2 semaphore(%run_scoped3A : memref<!tpu.dma_semaphore, #tpu.memory_space<semaphore_mem>>) src(%dma_wait3A_42 : memref<512xi32, #tpu.memory_space<hbm>>) dst(%arg5 : memref<512xi32, #tpu.memory_space<vmem>>)
      tpu.yield
    }) : () -> ()
    %dma_start3A_23 = arith.constant 0 : i32
    %dma_start3A_24 = arith.constant 0 : i32
    %dma_start3A_25 = tpu.memref_slice %arg2[%dma_start3A_23, %dma_start3A_24] : memref<4096x128xf32, #tpu.memory_space<hbm>> -> memref<4096x128xf32, #tpu.memory_space<hbm>>
    tpu.enqueue_indirect_dma source(%dma_start3A_25 : memref<4096x128xf32, #tpu.memory_space<hbm>>) target(%arg6 : memref<512x128xf32, #tpu.memory_space<vmem>>) offsets(%arg5 : memref<512xi32, #tpu.memory_space<vmem>>) semaphore(%arg7 : memref<!tpu.dma_semaphore, #tpu.memory_space<semaphore_mem>>)
    %dma_wait3A_26 = arith.constant 0 : i32
    %dma_wait3A_27 = arith.constant 0 : i32
    %dma_wait3A_28 = tpu.memref_slice %arg2[%dma_wait3A_26, %dma_wait3A_27] : memref<4096x128xf32, #tpu.memory_space<hbm>> -> memref<4096x128xf32, #tpu.memory_space<hbm>>
    tpu.wait_indirect_dma semaphore(%arg7 : memref<!tpu.dma_semaphore, #tpu.memory_space<semaphore_mem>>) src(%dma_wait3A_28 : memref<4096x128xf32, #tpu.memory_space<hbm>>) dst(%arg6 : memref<512x128xf32, #tpu.memory_space<vmem>>)
    "tpu.region"() ({
      %run_scoped3A = tpu.sem_alloc : memref<!tpu.dma_semaphore, #tpu.memory_space<semaphore_mem>>
      %dma_start3A_39 = arith.constant 0 : i32
      %dma_start3A_40 = tpu.memref_slice %arg4[%add3A_22, %dma_start3A_39] : memref<65536x128xf32, #tpu.memory_space<hbm>> -> memref<512x128xf32, #tpu.memory_space<hbm>>
      %dma_start3A_41 = arith.constant 0 : i32
      %dma_start3A_42 = tpu.memref_slice %arg4[%add3A_22, %dma_start3A_41] : memref<65536x128xf32, #tpu.memory_space<hbm>> -> memref<512x128xf32, #tpu.memory_space<hbm>>
      tpu.enqueue_dma source(%arg6 : memref<512x128xf32, #tpu.memory_space<vmem>>) target(%dma_start3A_42 : memref<512x128xf32, #tpu.memory_space<hbm>>) target_semaphore(%run_scoped3A : memref<!tpu.dma_semaphore, #tpu.memory_space<semaphore_mem>>)
      %dma_wait3A_43 = arith.constant 0 : i32
      %dma_wait3A_44 = tpu.memref_slice %arg4[%add3A_22, %dma_wait3A_43] : memref<65536x128xf32, #tpu.memory_space<hbm>> -> memref<512x128xf32, #tpu.memory_space<hbm>>
      %dma_wait3A_45 = arith.constant 0 : i32
      %dma_wait3A_46 = tpu.memref_slice %arg4[%add3A_22, %dma_wait3A_45] : memref<65536x128xf32, #tpu.memory_space<hbm>> -> memref<512x128xf32, #tpu.memory_space<hbm>>
      tpu.wait_dma2 semaphore(%run_scoped3A : memref<!tpu.dma_semaphore, #tpu.memory_space<semaphore_mem>>) src(%arg6 : memref<512x128xf32, #tpu.memory_space<vmem>>) dst(%dma_wait3A_46 : memref<512x128xf32, #tpu.memory_space<hbm>>)
      tpu.yield
    }) : () -> ()
    %mul3A_29 = arith.constant 2048 : i32
    %mul3A_30 = arith.muli %add3A, %mul3A_29 : i32
    %add3A_31 = arith.constant 1536 : i32
    %add3A_32 = arith.addi %mul3A_30, %add3A_31 : i32
    "tpu.region"() ({
      %run_scoped3A = tpu.sem_alloc : memref<!tpu.dma_semaphore, #tpu.memory_space<semaphore_mem>>
      %dma_start3A_39 = tpu.memref_slice %arg3[%add3A_32] : memref<65536xi32, #tpu.memory_space<hbm>> -> memref<512xi32, #tpu.memory_space<hbm>>
      %dma_start3A_40 = tpu.memref_slice %arg3[%add3A_32] : memref<65536xi32, #tpu.memory_space<hbm>> -> memref<512xi32, #tpu.memory_space<hbm>>
      tpu.enqueue_dma source(%dma_start3A_40 : memref<512xi32, #tpu.memory_space<hbm>>) target(%arg5 : memref<512xi32, #tpu.memory_space<vmem>>) target_semaphore(%run_scoped3A : memref<!tpu.dma_semaphore, #tpu.memory_space<semaphore_mem>>)
      %dma_wait3A_41 = tpu.memref_slice %arg3[%add3A_32] : memref<65536xi32, #tpu.memory_space<hbm>> -> memref<512xi32, #tpu.memory_space<hbm>>
      %dma_wait3A_42 = tpu.memref_slice %arg3[%add3A_32] : memref<65536xi32, #tpu.memory_space<hbm>> -> memref<512xi32, #tpu.memory_space<hbm>>
      tpu.wait_dma2 semaphore(%run_scoped3A : memref<!tpu.dma_semaphore, #tpu.memory_space<semaphore_mem>>) src(%dma_wait3A_42 : memref<512xi32, #tpu.memory_space<hbm>>) dst(%arg5 : memref<512xi32, #tpu.memory_space<vmem>>)
      tpu.yield
    }) : () -> ()
    %dma_start3A_33 = arith.constant 0 : i32
    %dma_start3A_34 = arith.constant 0 : i32
    %dma_start3A_35 = tpu.memref_slice %arg2[%dma_start3A_33, %dma_start3A_34] : memref<4096x128xf32, #tpu.memory_space<hbm>> -> memref<4096x128xf32, #tpu.memory_space<hbm>>
    tpu.enqueue_indirect_dma source(%dma_start3A_35 : memref<4096x128xf32, #tpu.memory_space<hbm>>) target(%arg6 : memref<512x128xf32, #tpu.memory_space<vmem>>) offsets(%arg5 : memref<512xi32, #tpu.memory_space<vmem>>) semaphore(%arg7 : memref<!tpu.dma_semaphore, #tpu.memory_space<semaphore_mem>>)
    %dma_wait3A_36 = arith.constant 0 : i32
    %dma_wait3A_37 = arith.constant 0 : i32
    %dma_wait3A_38 = tpu.memref_slice %arg2[%dma_wait3A_36, %dma_wait3A_37] : memref<4096x128xf32, #tpu.memory_space<hbm>> -> memref<4096x128xf32, #tpu.memory_space<hbm>>
    tpu.wait_indirect_dma semaphore(%arg7 : memref<!tpu.dma_semaphore, #tpu.memory_space<semaphore_mem>>) src(%dma_wait3A_38 : memref<4096x128xf32, #tpu.memory_space<hbm>>) dst(%arg6 : memref<512x128xf32, #tpu.memory_space<vmem>>)
    "tpu.region"() ({
      %run_scoped3A = tpu.sem_alloc : memref<!tpu.dma_semaphore, #tpu.memory_space<semaphore_mem>>
      %dma_start3A_39 = arith.constant 0 : i32
      %dma_start3A_40 = tpu.memref_slice %arg4[%add3A_32, %dma_start3A_39] : memref<65536x128xf32, #tpu.memory_space<hbm>> -> memref<512x128xf32, #tpu.memory_space<hbm>>
      %dma_start3A_41 = arith.constant 0 : i32
      %dma_start3A_42 = tpu.memref_slice %arg4[%add3A_32, %dma_start3A_41] : memref<65536x128xf32, #tpu.memory_space<hbm>> -> memref<512x128xf32, #tpu.memory_space<hbm>>
      tpu.enqueue_dma source(%arg6 : memref<512x128xf32, #tpu.memory_space<vmem>>) target(%dma_start3A_42 : memref<512x128xf32, #tpu.memory_space<hbm>>) target_semaphore(%run_scoped3A : memref<!tpu.dma_semaphore, #tpu.memory_space<semaphore_mem>>)
      %dma_wait3A_43 = arith.constant 0 : i32
      %dma_wait3A_44 = tpu.memref_slice %arg4[%add3A_32, %dma_wait3A_43] : memref<65536x128xf32, #tpu.memory_space<hbm>> -> memref<512x128xf32, #tpu.memory_space<hbm>>
      %dma_wait3A_45 = arith.constant 0 : i32
      %dma_wait3A_46 = tpu.memref_slice %arg4[%add3A_32, %dma_wait3A_45] : memref<65536x128xf32, #tpu.memory_space<hbm>> -> memref<512x128xf32, #tpu.memory_space<hbm>>
      tpu.wait_dma2 semaphore(%run_scoped3A : memref<!tpu.dma_semaphore, #tpu.memory_space<semaphore_mem>>) src(%arg6 : memref<512x128xf32, #tpu.memory_space<vmem>>) dst(%dma_wait3A_46 : memref<512x128xf32, #tpu.memory_space<hbm>>)
      tpu.yield
    }) : () -> ()
    return
  }
}

module attributes {stable_mosaic.version = 14 : i64} {
  func.func @_encode(%arg0: i32, %arg1: memref<512x256xf32, #tpu.memory_space<vmem>>, %arg2: memref<4x256x256xf32, #tpu.memory_space<vmem>>, %arg3: memref<4x1x256xf32, #tpu.memory_space<vmem>>, %arg4: memref<4x256x128xf32, #tpu.memory_space<vmem>>, %arg5: memref<4x1x128xf32, #tpu.memory_space<vmem>>, %arg6: memref<4x128x64xf32, #tpu.memory_space<vmem>>, %arg7: memref<4x1x64xf32, #tpu.memory_space<vmem>>, %arg8: memref<1x64xf32, #tpu.memory_space<vmem>>, %arg9: memref<1x64xf32, #tpu.memory_space<vmem>>, %arg10: memref<4x1024x64xf32, #tpu.memory_space<vmem>>, %arg11: memref<512x4xi32, #tpu.memory_space<vmem>>, %arg12: memref<512x4xi32, #tpu.memory_space<vmem>>, %arg13: memref<512x256xf32, #tpu.memory_space<vmem>>, %arg14: memref<4096x128xf32, #tpu.memory_space<vmem>>, %arg15: memref<4x1024x64xf32, #tpu.memory_space<vmem>>) attributes {dimension_semantics = [#tpu.dimension_semantics<arbitrary>], iteration_bounds = array<i64: 32>, scalar_prefetch = 0 : i64, scratch_operands = 1 : i64, tpu.core_type = #tpu.core_type<tc>, window_params = [{transform_indices = @transform_0, window_bounds = array<i64: 512, 256>}, {pipeline_mode = #tpu.pipeline_mode<synchronous>, transform_indices = @transform_1, window_bounds = array<i64: 4, 256, 256>}, {pipeline_mode = #tpu.pipeline_mode<synchronous>, transform_indices = @transform_2, window_bounds = array<i64: 4, 1, 256>}, {pipeline_mode = #tpu.pipeline_mode<synchronous>, transform_indices = @transform_3, window_bounds = array<i64: 4, 256, 128>}, {pipeline_mode = #tpu.pipeline_mode<synchronous>, transform_indices = @transform_4, window_bounds = array<i64: 4, 1, 128>}, {pipeline_mode = #tpu.pipeline_mode<synchronous>, transform_indices = @transform_5, window_bounds = array<i64: 4, 128, 64>}, {pipeline_mode = #tpu.pipeline_mode<synchronous>, transform_indices = @transform_6, window_bounds = array<i64: 4, 1, 64>}, {pipeline_mode = #tpu.pipeline_mode<synchronous>, transform_indices = @transform_7, window_bounds = array<i64: 1, 64>}, {pipeline_mode = #tpu.pipeline_mode<synchronous>, transform_indices = @transform_8, window_bounds = array<i64: 1, 64>}, {pipeline_mode = #tpu.pipeline_mode<synchronous>, transform_indices = @transform_9, window_bounds = array<i64: 4, 1024, 64>}, {transform_indices = @transform_10, window_bounds = array<i64: 512, 4>}, {transform_indices = @transform_11, window_bounds = array<i64: 512, 4>}, {transform_indices = @transform_12, window_bounds = array<i64: 512, 256>}, {pipeline_mode = #tpu.pipeline_mode<synchronous>, transform_indices = @transform_13, window_bounds = array<i64: 4096, 128>}]} {
    %get3A = arith.constant 0 : index
    %get3A_0 = arith.constant 0 : index
    %get3A_1 = vector.load %arg1[%get3A, %get3A_0] : memref<512x256xf32, #tpu.memory_space<vmem>>, vector<512x256xf32>
    %get3A_2 = arith.constant 0 : index
    %get3A_3 = arith.constant 0 : index
    %get3A_4 = vector.load %arg8[%get3A_2, %get3A_3] : memref<1x64xf32, #tpu.memory_space<vmem>>, vector<1x64xf32>
    %get3A_5 = arith.constant 0 : index
    %get3A_6 = arith.constant 0 : index
    %get3A_7 = vector.load %arg9[%get3A_5, %get3A_6] : memref<1x64xf32, #tpu.memory_space<vmem>>, vector<1x64xf32>
    %eq3A = arith.constant 0 : i32
    %eq3A_8 = arith.cmpi eq, %arg0, %eq3A : i32
    %convert_element_type3A = arith.extui %eq3A_8 : i1 to i32
    %cond3A = arith.constant 0 : i32
    %cond3A_9 = arith.cmpi ne, %convert_element_type3A, %cond3A : i32
    scf.if %cond3A_9 {
      %get3A_423 = arith.constant 0 : index
      %get3A_424 = arith.constant 0 : index
      %get3A_425 = arith.constant 0 : index
      %get3A_426 = vector.load %arg10[%get3A_423, %get3A_424, %get3A_425] : memref<4x1024x64xf32, #tpu.memory_space<vmem>>, vector<1x1024x64xf32>
      %get3A_427 = vector.shape_cast %get3A_426 : vector<1x1024x64xf32> to vector<1024x64xf32>
      %mul3A_428 = arith.mulf %get3A_427, %get3A_427 : vector<1024x64xf32>
      %reduce_sum3A_429 = arith.constant dense<0.000000e+00> : vector<1024xf32>
      %reduce_sum3A_430 = vector.multi_reduction <add>, %mul3A_428, %reduce_sum3A_429 [1] : vector<1024x64xf32> to vector<1024xf32>
      %broadcast_in_dim3A_431 = vector.shape_cast %reduce_sum3A_430 : vector<1024xf32> to vector<1024x1xf32>
      %sqrt3A_432 = math.sqrt %broadcast_in_dim3A_431 : vector<1024x1xf32>
      %max3A_433 = arith.constant 9.99999996E-13 : f32
      %max3A_434 = vector.broadcast %max3A_433 : f32 to vector<1024x1xf32>
      %max3A_435 = arith.maximumf %sqrt3A_432, %max3A_434 : vector<1024x1xf32>
      %div3A_436 = arith.constant 1.000000e+00 : f32
      %div3A_437 = vector.broadcast %div3A_436 : f32 to vector<1024x1xf32>
      %div3A_438 = arith.divf %div3A_437, %max3A_435 : vector<1024x1xf32>
      %mul3A_439 = vector.broadcast %div3A_438 : vector<1024x1xf32> to vector<1024x64xf32>
      %mul3A_440 = arith.mulf %get3A_427, %mul3A_439 : vector<1024x64xf32>
      %swap3A_441 = arith.constant 0 : index
      %swap3A_442 = arith.constant 0 : index
      %swap3A_443 = arith.constant 0 : index
      %swap3A_444 = vector.load %arg15[%swap3A_441, %swap3A_442, %swap3A_443] : memref<4x1024x64xf32, #tpu.memory_space<vmem>>, vector<1x1024x64xf32>
      %swap3A_445 = vector.shape_cast %swap3A_444 : vector<1x1024x64xf32> to vector<1024x64xf32>
      %swap3A_446 = vector.shape_cast %mul3A_440 : vector<1024x64xf32> to vector<1x1024x64xf32>
      tpu.vector_store %arg15[%swap3A_441, %swap3A_442, %swap3A_443], %swap3A_446 {strides = array<i32>} : memref<4x1024x64xf32, #tpu.memory_space<vmem>>, vector<1x1024x64xf32>,
      %broadcast_in_dim3A_447 = arith.constant 0.000000e+00 : f32
      %broadcast_in_dim3A_448 = vector.broadcast %broadcast_in_dim3A_447 : f32 to vector<1024x64xf32>
      %concatenate3A_449 = tpu.concatenate %mul3A_440, %broadcast_in_dim3A_448 in 1 : vector<1024x64xf32>, vector<1024x64xf32> -> vector<1024x128xf32>
      %swap3A_450 = arith.constant 0 : index
      %swap3A_451 = arith.constant 0 : index
      %swap3A_452 = vector.load %arg14[%swap3A_450, %swap3A_451] : memref<4096x128xf32, #tpu.memory_space<vmem>>, vector<1024x128xf32>
      tpu.vector_store %arg14[%swap3A_450, %swap3A_451], %concatenate3A_449 {strides = array<i32>} : memref<4096x128xf32, #tpu.memory_space<vmem>>, vector<1024x128xf32>,
      %get3A_453 = arith.constant 1 : index
      %get3A_454 = arith.constant 0 : index
      %get3A_455 = arith.constant 0 : index
      %get3A_456 = vector.load %arg10[%get3A_453, %get3A_454, %get3A_455] : memref<4x1024x64xf32, #tpu.memory_space<vmem>>, vector<1x1024x64xf32>
      %get3A_457 = vector.shape_cast %get3A_456 : vector<1x1024x64xf32> to vector<1024x64xf32>
      %mul3A_458 = arith.mulf %get3A_457, %get3A_457 : vector<1024x64xf32>
      %reduce_sum3A_459 = arith.constant dense<0.000000e+00> : vector<1024xf32>
      %reduce_sum3A_460 = vector.multi_reduction <add>, %mul3A_458, %reduce_sum3A_459 [1] : vector<1024x64xf32> to vector<1024xf32>
      %broadcast_in_dim3A_461 = vector.shape_cast %reduce_sum3A_460 : vector<1024xf32> to vector<1024x1xf32>
      %sqrt3A_462 = math.sqrt %broadcast_in_dim3A_461 : vector<1024x1xf32>
      %max3A_463 = arith.constant 9.99999996E-13 : f32
      %max3A_464 = vector.broadcast %max3A_463 : f32 to vector<1024x1xf32>
      %max3A_465 = arith.maximumf %sqrt3A_462, %max3A_464 : vector<1024x1xf32>
      %div3A_466 = arith.constant 1.000000e+00 : f32
      %div3A_467 = vector.broadcast %div3A_466 : f32 to vector<1024x1xf32>
      %div3A_468 = arith.divf %div3A_467, %max3A_465 : vector<1024x1xf32>
      %mul3A_469 = vector.broadcast %div3A_468 : vector<1024x1xf32> to vector<1024x64xf32>
      %mul3A_470 = arith.mulf %get3A_457, %mul3A_469 : vector<1024x64xf32>
      %swap3A_471 = arith.constant 1 : index
      %swap3A_472 = arith.constant 0 : index
      %swap3A_473 = arith.constant 0 : index
      %swap3A_474 = vector.load %arg15[%swap3A_471, %swap3A_472, %swap3A_473] : memref<4x1024x64xf32, #tpu.memory_space<vmem>>, vector<1x1024x64xf32>
      %swap3A_475 = vector.shape_cast %swap3A_474 : vector<1x1024x64xf32> to vector<1024x64xf32>
      %swap3A_476 = vector.shape_cast %mul3A_470 : vector<1024x64xf32> to vector<1x1024x64xf32>
      tpu.vector_store %arg15[%swap3A_471, %swap3A_472, %swap3A_473], %swap3A_476 {strides = array<i32>} : memref<4x1024x64xf32, #tpu.memory_space<vmem>>, vector<1x1024x64xf32>,
      %broadcast_in_dim3A_477 = arith.constant 0.000000e+00 : f32
      %broadcast_in_dim3A_478 = vector.broadcast %broadcast_in_dim3A_477 : f32 to vector<1024x64xf32>
      %concatenate3A_479 = tpu.concatenate %mul3A_470, %broadcast_in_dim3A_478 in 1 : vector<1024x64xf32>, vector<1024x64xf32> -> vector<1024x128xf32>
      %swap3A_480 = arith.constant 1024 : index
      %swap3A_481 = arith.constant 0 : index
      %swap3A_482 = vector.load %arg14[%swap3A_480, %swap3A_481] : memref<4096x128xf32, #tpu.memory_space<vmem>>, vector<1024x128xf32>
      tpu.vector_store %arg14[%swap3A_480, %swap3A_481], %concatenate3A_479 {strides = array<i32>} : memref<4096x128xf32, #tpu.memory_space<vmem>>, vector<1024x128xf32>,
      %get3A_483 = arith.constant 2 : index
      %get3A_484 = arith.constant 0 : index
      %get3A_485 = arith.constant 0 : index
      %get3A_486 = vector.load %arg10[%get3A_483, %get3A_484, %get3A_485] : memref<4x1024x64xf32, #tpu.memory_space<vmem>>, vector<1x1024x64xf32>
      %get3A_487 = vector.shape_cast %get3A_486 : vector<1x1024x64xf32> to vector<1024x64xf32>
      %mul3A_488 = arith.mulf %get3A_487, %get3A_487 : vector<1024x64xf32>
      %reduce_sum3A_489 = arith.constant dense<0.000000e+00> : vector<1024xf32>
      %reduce_sum3A_490 = vector.multi_reduction <add>, %mul3A_488, %reduce_sum3A_489 [1] : vector<1024x64xf32> to vector<1024xf32>
      %broadcast_in_dim3A_491 = vector.shape_cast %reduce_sum3A_490 : vector<1024xf32> to vector<1024x1xf32>
      %sqrt3A_492 = math.sqrt %broadcast_in_dim3A_491 : vector<1024x1xf32>
      %max3A_493 = arith.constant 9.99999996E-13 : f32
      %max3A_494 = vector.broadcast %max3A_493 : f32 to vector<1024x1xf32>
      %max3A_495 = arith.maximumf %sqrt3A_492, %max3A_494 : vector<1024x1xf32>
      %div3A_496 = arith.constant 1.000000e+00 : f32
      %div3A_497 = vector.broadcast %div3A_496 : f32 to vector<1024x1xf32>
      %div3A_498 = arith.divf %div3A_497, %max3A_495 : vector<1024x1xf32>
      %mul3A_499 = vector.broadcast %div3A_498 : vector<1024x1xf32> to vector<1024x64xf32>
      %mul3A_500 = arith.mulf %get3A_487, %mul3A_499 : vector<1024x64xf32>
      %swap3A_501 = arith.constant 2 : index
      %swap3A_502 = arith.constant 0 : index
      %swap3A_503 = arith.constant 0 : index
      %swap3A_504 = vector.load %arg15[%swap3A_501, %swap3A_502, %swap3A_503] : memref<4x1024x64xf32, #tpu.memory_space<vmem>>, vector<1x1024x64xf32>
      %swap3A_505 = vector.shape_cast %swap3A_504 : vector<1x1024x64xf32> to vector<1024x64xf32>
      %swap3A_506 = vector.shape_cast %mul3A_500 : vector<1024x64xf32> to vector<1x1024x64xf32>
      tpu.vector_store %arg15[%swap3A_501, %swap3A_502, %swap3A_503], %swap3A_506 {strides = array<i32>} : memref<4x1024x64xf32, #tpu.memory_space<vmem>>, vector<1x1024x64xf32>,
      %broadcast_in_dim3A_507 = arith.constant 0.000000e+00 : f32
      %broadcast_in_dim3A_508 = vector.broadcast %broadcast_in_dim3A_507 : f32 to vector<1024x64xf32>
      %concatenate3A_509 = tpu.concatenate %mul3A_500, %broadcast_in_dim3A_508 in 1 : vector<1024x64xf32>, vector<1024x64xf32> -> vector<1024x128xf32>
      %swap3A_510 = arith.constant 2048 : index
      %swap3A_511 = arith.constant 0 : index
      %swap3A_512 = vector.load %arg14[%swap3A_510, %swap3A_511] : memref<4096x128xf32, #tpu.memory_space<vmem>>, vector<1024x128xf32>
      tpu.vector_store %arg14[%swap3A_510, %swap3A_511], %concatenate3A_509 {strides = array<i32>} : memref<4096x128xf32, #tpu.memory_space<vmem>>, vector<1024x128xf32>,
      %get3A_513 = arith.constant 3 : index
      %get3A_514 = arith.constant 0 : index
      %get3A_515 = arith.constant 0 : index
      %get3A_516 = vector.load %arg10[%get3A_513, %get3A_514, %get3A_515] : memref<4x1024x64xf32, #tpu.memory_space<vmem>>, vector<1x1024x64xf32>
      %get3A_517 = vector.shape_cast %get3A_516 : vector<1x1024x64xf32> to vector<1024x64xf32>
      %mul3A_518 = arith.mulf %get3A_517, %get3A_517 : vector<1024x64xf32>
      %reduce_sum3A_519 = arith.constant dense<0.000000e+00> : vector<1024xf32>
      %reduce_sum3A_520 = vector.multi_reduction <add>, %mul3A_518, %reduce_sum3A_519 [1] : vector<1024x64xf32> to vector<1024xf32>
      %broadcast_in_dim3A_521 = vector.shape_cast %reduce_sum3A_520 : vector<1024xf32> to vector<1024x1xf32>
      %sqrt3A_522 = math.sqrt %broadcast_in_dim3A_521 : vector<1024x1xf32>
      %max3A_523 = arith.constant 9.99999996E-13 : f32
      %max3A_524 = vector.broadcast %max3A_523 : f32 to vector<1024x1xf32>
      %max3A_525 = arith.maximumf %sqrt3A_522, %max3A_524 : vector<1024x1xf32>
      %div3A_526 = arith.constant 1.000000e+00 : f32
      %div3A_527 = vector.broadcast %div3A_526 : f32 to vector<1024x1xf32>
      %div3A_528 = arith.divf %div3A_527, %max3A_525 : vector<1024x1xf32>
      %mul3A_529 = vector.broadcast %div3A_528 : vector<1024x1xf32> to vector<1024x64xf32>
      %mul3A_530 = arith.mulf %get3A_517, %mul3A_529 : vector<1024x64xf32>
      %swap3A_531 = arith.constant 3 : index
      %swap3A_532 = arith.constant 0 : index
      %swap3A_533 = arith.constant 0 : index
      %swap3A_534 = vector.load %arg15[%swap3A_531, %swap3A_532, %swap3A_533] : memref<4x1024x64xf32, #tpu.memory_space<vmem>>, vector<1x1024x64xf32>
      %swap3A_535 = vector.shape_cast %swap3A_534 : vector<1x1024x64xf32> to vector<1024x64xf32>
      %swap3A_536 = vector.shape_cast %mul3A_530 : vector<1024x64xf32> to vector<1x1024x64xf32>
      tpu.vector_store %arg15[%swap3A_531, %swap3A_532, %swap3A_533], %swap3A_536 {strides = array<i32>} : memref<4x1024x64xf32, #tpu.memory_space<vmem>>, vector<1x1024x64xf32>,
      %broadcast_in_dim3A_537 = arith.constant 0.000000e+00 : f32
      %broadcast_in_dim3A_538 = vector.broadcast %broadcast_in_dim3A_537 : f32 to vector<1024x64xf32>
      %concatenate3A_539 = tpu.concatenate %mul3A_530, %broadcast_in_dim3A_538 in 1 : vector<1024x64xf32>, vector<1024x64xf32> -> vector<1024x128xf32>
      %swap3A_540 = arith.constant 3072 : index
      %swap3A_541 = arith.constant 0 : index
      %swap3A_542 = vector.load %arg14[%swap3A_540, %swap3A_541] : memref<4096x128xf32, #tpu.memory_space<vmem>>, vector<1024x128xf32>
      tpu.vector_store %arg14[%swap3A_540, %swap3A_541], %concatenate3A_539 {strides = array<i32>} : memref<4096x128xf32, #tpu.memory_space<vmem>>, vector<1024x128xf32>,
    } else {
    }
    %get3A_10 = arith.constant 0 : index
    %get3A_11 = arith.constant 0 : index
    %get3A_12 = arith.constant 0 : index
    %get3A_13 = vector.load %arg2[%get3A_10, %get3A_11, %get3A_12] : memref<4x256x256xf32, #tpu.memory_space<vmem>>, vector<1x256x256xf32>
    %get3A_14 = vector.shape_cast %get3A_13 : vector<1x256x256xf32> to vector<256x256xf32>
    %dot_general3A = arith.constant dense<0.000000e+00> : vector<512x256xf32>
    %dot_general3A_15 = tpu.matmul %get3A_1, %get3A_14, %dot_general3A {dimension_numbers = #tpu.dot_dimension_numbers<[1], [0], [0], [1], [0, 0, 1, 1], [], []>, transpose_lhs_hint = false} : vector<512x256xf32>, vector<256x256xf32>, vector<512x256xf32> -> vector<512x256xf32>
    %get3A_16 = arith.constant 0 : index
    %get3A_17 = arith.constant 0 : index
    %get3A_18 = arith.constant 0 : index
    %get3A_19 = vector.load %arg3[%get3A_16, %get3A_17, %get3A_18] : memref<4x1x256xf32, #tpu.memory_space<vmem>>, vector<1x1x256xf32>
    %get3A_20 = vector.shape_cast %get3A_19 : vector<1x1x256xf32> to vector<1x256xf32>
    %add3A = vector.broadcast %get3A_20 : vector<1x256xf32> to vector<512x256xf32>
    %add3A_21 = arith.addf %dot_general3A_15, %add3A : vector<512x256xf32>
    %max3A = arith.constant 0.000000e+00 : f32
    %max3A_22 = vector.broadcast %max3A : f32 to vector<512x256xf32>
    %max3A_23 = arith.maximumf %add3A_21, %max3A_22 : vector<512x256xf32>
    %get3A_24 = arith.constant 0 : index
    %get3A_25 = arith.constant 0 : index
    %get3A_26 = arith.constant 0 : index
    %get3A_27 = vector.load %arg4[%get3A_24, %get3A_25, %get3A_26] : memref<4x256x128xf32, #tpu.memory_space<vmem>>, vector<1x256x128xf32>
    %get3A_28 = vector.shape_cast %get3A_27 : vector<1x256x128xf32> to vector<256x128xf32>
    %dot_general3A_29 = arith.constant dense<0.000000e+00> : vector<512x128xf32>
    %dot_general3A_30 = tpu.matmul %max3A_23, %get3A_28, %dot_general3A_29 {dimension_numbers = #tpu.dot_dimension_numbers<[1], [0], [0], [1], [0, 0, 1, 1], [], []>, transpose_lhs_hint = false} : vector<512x256xf32>, vector<256x128xf32>, vector<512x128xf32> -> vector<512x128xf32>
    %get3A_31 = arith.constant 0 : index
    %get3A_32 = arith.constant 0 : index
    %get3A_33 = arith.constant 0 : index
    %get3A_34 = vector.load %arg5[%get3A_31, %get3A_32, %get3A_33] : memref<4x1x128xf32, #tpu.memory_space<vmem>>, vector<1x1x128xf32>
    %get3A_35 = vector.shape_cast %get3A_34 : vector<1x1x128xf32> to vector<1x128xf32>
    %add3A_36 = vector.broadcast %get3A_35 : vector<1x128xf32> to vector<512x128xf32>
    %add3A_37 = arith.addf %dot_general3A_30, %add3A_36 : vector<512x128xf32>
    %max3A_38 = arith.constant 0.000000e+00 : f32
    %max3A_39 = vector.broadcast %max3A_38 : f32 to vector<512x128xf32>
    %max3A_40 = arith.maximumf %add3A_37, %max3A_39 : vector<512x128xf32>
    %get3A_41 = arith.constant 0 : index
    %get3A_42 = arith.constant 0 : index
    %get3A_43 = arith.constant 0 : index
    %get3A_44 = vector.load %arg6[%get3A_41, %get3A_42, %get3A_43] : memref<4x128x64xf32, #tpu.memory_space<vmem>>, vector<1x128x64xf32>
    %get3A_45 = vector.shape_cast %get3A_44 : vector<1x128x64xf32> to vector<128x64xf32>
    %dot_general3A_46 = arith.constant dense<0.000000e+00> : vector<512x64xf32>
    %dot_general3A_47 = tpu.matmul %max3A_40, %get3A_45, %dot_general3A_46 {dimension_numbers = #tpu.dot_dimension_numbers<[1], [0], [0], [1], [0, 0, 1, 1], [], []>, transpose_lhs_hint = false} : vector<512x128xf32>, vector<128x64xf32>, vector<512x64xf32> -> vector<512x64xf32>
    %get3A_48 = arith.constant 0 : index
    %get3A_49 = arith.constant 0 : index
    %get3A_50 = arith.constant 0 : index
    %get3A_51 = vector.load %arg7[%get3A_48, %get3A_49, %get3A_50] : memref<4x1x64xf32, #tpu.memory_space<vmem>>, vector<1x1x64xf32>
    %get3A_52 = vector.shape_cast %get3A_51 : vector<1x1x64xf32> to vector<1x64xf32>
    %add3A_53 = vector.broadcast %get3A_52 : vector<1x64xf32> to vector<512x64xf32>
    %add3A_54 = arith.addf %dot_general3A_47, %add3A_53 : vector<512x64xf32>
    %reduce_sum3A = arith.constant dense<0.000000e+00> : vector<512xf32>
    %reduce_sum3A_55 = vector.multi_reduction <add>, %add3A_54, %reduce_sum3A [1] : vector<512x64xf32> to vector<512xf32>
    %broadcast_in_dim3A = vector.shape_cast %reduce_sum3A_55 : vector<512xf32> to vector<512x1xf32>
    %div3A = arith.constant 6.400000e+01 : f32
    %div3A_56 = vector.broadcast %div3A : f32 to vector<512x1xf32>
    %div3A_57 = arith.divf %broadcast_in_dim3A, %div3A_56 : vector<512x1xf32>
    %sub3A = vector.broadcast %div3A_57 : vector<512x1xf32> to vector<512x64xf32>
    %sub3A_58 = arith.subf %add3A_54, %sub3A : vector<512x64xf32>
    %integer_pow3A = arith.mulf %sub3A_58, %sub3A_58 : vector<512x64xf32>
    %reduce_sum3A_59 = arith.constant dense<0.000000e+00> : vector<512xf32>
    %reduce_sum3A_60 = vector.multi_reduction <add>, %integer_pow3A, %reduce_sum3A_59 [1] : vector<512x64xf32> to vector<512xf32>
    %broadcast_in_dim3A_61 = vector.shape_cast %reduce_sum3A_60 : vector<512xf32> to vector<512x1xf32>
    %div3A_62 = arith.constant 6.400000e+01 : f32
    %div3A_63 = vector.broadcast %div3A_62 : f32 to vector<512x1xf32>
    %div3A_64 = arith.divf %broadcast_in_dim3A_61, %div3A_63 : vector<512x1xf32>
    %sub3A_65 = vector.broadcast %div3A_57 : vector<512x1xf32> to vector<512x64xf32>
    %sub3A_66 = arith.subf %add3A_54, %sub3A_65 : vector<512x64xf32>
    %add3A_67 = arith.constant 9.99999974E-6 : f32
    %add3A_68 = vector.broadcast %add3A_67 : f32 to vector<512x1xf32>
    %add3A_69 = arith.addf %div3A_64, %add3A_68 : vector<512x1xf32>
    %sqrt3A = math.sqrt %add3A_69 : vector<512x1xf32>
    %div3A_70 = arith.constant 1.000000e+00 : f32
    %div3A_71 = vector.broadcast %div3A_70 : f32 to vector<512x1xf32>
    %div3A_72 = arith.divf %div3A_71, %sqrt3A : vector<512x1xf32>
    %mul3A = vector.broadcast %div3A_72 : vector<512x1xf32> to vector<512x64xf32>
    %mul3A_73 = arith.mulf %sub3A_66, %mul3A : vector<512x64xf32>
    %mul3A_74 = vector.broadcast %get3A_4 : vector<1x64xf32> to vector<512x64xf32>
    %mul3A_75 = arith.mulf %mul3A_73, %mul3A_74 : vector<512x64xf32>
    %add3A_76 = vector.broadcast %get3A_7 : vector<1x64xf32> to vector<512x64xf32>
    %add3A_77 = arith.addf %mul3A_75, %add3A_76 : vector<512x64xf32>
    %mul3A_78 = arith.mulf %add3A_77, %add3A_77 : vector<512x64xf32>
    %reduce_sum3A_79 = arith.constant dense<0.000000e+00> : vector<512xf32>
    %reduce_sum3A_80 = vector.multi_reduction <add>, %mul3A_78, %reduce_sum3A_79 [1] : vector<512x64xf32> to vector<512xf32>
    %broadcast_in_dim3A_81 = vector.shape_cast %reduce_sum3A_80 : vector<512xf32> to vector<512x1xf32>
    %sqrt3A_82 = math.sqrt %broadcast_in_dim3A_81 : vector<512x1xf32>
    %max3A_83 = arith.constant 9.99999996E-13 : f32
    %max3A_84 = vector.broadcast %max3A_83 : f32 to vector<512x1xf32>
    %max3A_85 = arith.maximumf %sqrt3A_82, %max3A_84 : vector<512x1xf32>
    %div3A_86 = arith.constant 1.000000e+00 : f32
    %div3A_87 = vector.broadcast %div3A_86 : f32 to vector<512x1xf32>
    %div3A_88 = arith.divf %div3A_87, %max3A_85 : vector<512x1xf32>
    %mul3A_89 = vector.broadcast %div3A_88 : vector<512x1xf32> to vector<512x64xf32>
    %mul3A_90 = arith.mulf %add3A_77, %mul3A_89 : vector<512x64xf32>
    %get3A_91 = arith.constant 0 : index
    %get3A_92 = arith.constant 0 : index
    %get3A_93 = arith.constant 0 : index
    %get3A_94 = vector.load %arg15[%get3A_91, %get3A_92, %get3A_93] : memref<4x1024x64xf32, #tpu.memory_space<vmem>>, vector<1x1024x64xf32>
    %get3A_95 = vector.shape_cast %get3A_94 : vector<1x1024x64xf32> to vector<1024x64xf32>
    %dot_general3A_96 = arith.constant dense<0.000000e+00> : vector<512x1024xf32>
    %dot_general3A_97 = tpu.matmul %mul3A_90, %get3A_95, %dot_general3A_96 {dimension_numbers = #tpu.dot_dimension_numbers<[1], [1], [0], [0], [0, 0, 1, 0], [], []>, transpose_lhs_hint = false} : vector<512x64xf32>, vector<1024x64xf32>, vector<512x1024xf32> -> vector<512x1024xf32>
    %sub3A_98 = arith.constant 1.000000e+00 : f32
    %sub3A_99 = vector.broadcast %sub3A_98 : f32 to vector<512x1024xf32>
    %sub3A_100 = arith.subf %sub3A_99, %dot_general3A_97 : vector<512x1024xf32>
    %argmin3A = tpu.reduce_index %sub3A_100 {axis = 1 : i32, kind = #tpu.reduction_kind<arg_min>} : vector<512x1024xf32> -> vector<512xi32>
    %reshape3A = vector.shape_cast %argmin3A : vector<512xi32> to vector<512x1xi32>
    %get3A_101 = arith.constant 1 : index
    %get3A_102 = arith.constant 0 : index
    %get3A_103 = arith.constant 0 : index
    %get3A_104 = vector.load %arg2[%get3A_101, %get3A_102, %get3A_103] : memref<4x256x256xf32, #tpu.memory_space<vmem>>, vector<1x256x256xf32>
    %get3A_105 = vector.shape_cast %get3A_104 : vector<1x256x256xf32> to vector<256x256xf32>
    %dot_general3A_106 = arith.constant dense<0.000000e+00> : vector<512x256xf32>
    %dot_general3A_107 = tpu.matmul %get3A_1, %get3A_105, %dot_general3A_106 {dimension_numbers = #tpu.dot_dimension_numbers<[1], [0], [0], [1], [0, 0, 1, 1], [], []>, transpose_lhs_hint = false} : vector<512x256xf32>, vector<256x256xf32>, vector<512x256xf32> -> vector<512x256xf32>
    %get3A_108 = arith.constant 1 : index
    %get3A_109 = arith.constant 0 : index
    %get3A_110 = arith.constant 0 : index
    %get3A_111 = vector.load %arg3[%get3A_108, %get3A_109, %get3A_110] : memref<4x1x256xf32, #tpu.memory_space<vmem>>, vector<1x1x256xf32>
    %get3A_112 = vector.shape_cast %get3A_111 : vector<1x1x256xf32> to vector<1x256xf32>
    %add3A_113 = vector.broadcast %get3A_112 : vector<1x256xf32> to vector<512x256xf32>
    %add3A_114 = arith.addf %dot_general3A_107, %add3A_113 : vector<512x256xf32>
    %max3A_115 = arith.constant 0.000000e+00 : f32
    %max3A_116 = vector.broadcast %max3A_115 : f32 to vector<512x256xf32>
    %max3A_117 = arith.maximumf %add3A_114, %max3A_116 : vector<512x256xf32>
    %get3A_118 = arith.constant 1 : index
    %get3A_119 = arith.constant 0 : index
    %get3A_120 = arith.constant 0 : index
    %get3A_121 = vector.load %arg4[%get3A_118, %get3A_119, %get3A_120] : memref<4x256x128xf32, #tpu.memory_space<vmem>>, vector<1x256x128xf32>
    %get3A_122 = vector.shape_cast %get3A_121 : vector<1x256x128xf32> to vector<256x128xf32>
    %dot_general3A_123 = arith.constant dense<0.000000e+00> : vector<512x128xf32>
    %dot_general3A_124 = tpu.matmul %max3A_117, %get3A_122, %dot_general3A_123 {dimension_numbers = #tpu.dot_dimension_numbers<[1], [0], [0], [1], [0, 0, 1, 1], [], []>, transpose_lhs_hint = false} : vector<512x256xf32>, vector<256x128xf32>, vector<512x128xf32> -> vector<512x128xf32>
    %get3A_125 = arith.constant 1 : index
    %get3A_126 = arith.constant 0 : index
    %get3A_127 = arith.constant 0 : index
    %get3A_128 = vector.load %arg5[%get3A_125, %get3A_126, %get3A_127] : memref<4x1x128xf32, #tpu.memory_space<vmem>>, vector<1x1x128xf32>
    %get3A_129 = vector.shape_cast %get3A_128 : vector<1x1x128xf32> to vector<1x128xf32>
    %add3A_130 = vector.broadcast %get3A_129 : vector<1x128xf32> to vector<512x128xf32>
    %add3A_131 = arith.addf %dot_general3A_124, %add3A_130 : vector<512x128xf32>
    %max3A_132 = arith.constant 0.000000e+00 : f32
    %max3A_133 = vector.broadcast %max3A_132 : f32 to vector<512x128xf32>
    %max3A_134 = arith.maximumf %add3A_131, %max3A_133 : vector<512x128xf32>
    %get3A_135 = arith.constant 1 : index
    %get3A_136 = arith.constant 0 : index
    %get3A_137 = arith.constant 0 : index
    %get3A_138 = vector.load %arg6[%get3A_135, %get3A_136, %get3A_137] : memref<4x128x64xf32, #tpu.memory_space<vmem>>, vector<1x128x64xf32>
    %get3A_139 = vector.shape_cast %get3A_138 : vector<1x128x64xf32> to vector<128x64xf32>
    %dot_general3A_140 = arith.constant dense<0.000000e+00> : vector<512x64xf32>
    %dot_general3A_141 = tpu.matmul %max3A_134, %get3A_139, %dot_general3A_140 {dimension_numbers = #tpu.dot_dimension_numbers<[1], [0], [0], [1], [0, 0, 1, 1], [], []>, transpose_lhs_hint = false} : vector<512x128xf32>, vector<128x64xf32>, vector<512x64xf32> -> vector<512x64xf32>
    %get3A_142 = arith.constant 1 : index
    %get3A_143 = arith.constant 0 : index
    %get3A_144 = arith.constant 0 : index
    %get3A_145 = vector.load %arg7[%get3A_142, %get3A_143, %get3A_144] : memref<4x1x64xf32, #tpu.memory_space<vmem>>, vector<1x1x64xf32>
    %get3A_146 = vector.shape_cast %get3A_145 : vector<1x1x64xf32> to vector<1x64xf32>
    %add3A_147 = vector.broadcast %get3A_146 : vector<1x64xf32> to vector<512x64xf32>
    %add3A_148 = arith.addf %dot_general3A_141, %add3A_147 : vector<512x64xf32>
    %reduce_sum3A_149 = arith.constant dense<0.000000e+00> : vector<512xf32>
    %reduce_sum3A_150 = vector.multi_reduction <add>, %add3A_148, %reduce_sum3A_149 [1] : vector<512x64xf32> to vector<512xf32>
    %broadcast_in_dim3A_151 = vector.shape_cast %reduce_sum3A_150 : vector<512xf32> to vector<512x1xf32>
    %div3A_152 = arith.constant 6.400000e+01 : f32
    %div3A_153 = vector.broadcast %div3A_152 : f32 to vector<512x1xf32>
    %div3A_154 = arith.divf %broadcast_in_dim3A_151, %div3A_153 : vector<512x1xf32>
    %sub3A_155 = vector.broadcast %div3A_154 : vector<512x1xf32> to vector<512x64xf32>
    %sub3A_156 = arith.subf %add3A_148, %sub3A_155 : vector<512x64xf32>
    %integer_pow3A_157 = arith.mulf %sub3A_156, %sub3A_156 : vector<512x64xf32>
    %reduce_sum3A_158 = arith.constant dense<0.000000e+00> : vector<512xf32>
    %reduce_sum3A_159 = vector.multi_reduction <add>, %integer_pow3A_157, %reduce_sum3A_158 [1] : vector<512x64xf32> to vector<512xf32>
    %broadcast_in_dim3A_160 = vector.shape_cast %reduce_sum3A_159 : vector<512xf32> to vector<512x1xf32>
    %div3A_161 = arith.constant 6.400000e+01 : f32
    %div3A_162 = vector.broadcast %div3A_161 : f32 to vector<512x1xf32>
    %div3A_163 = arith.divf %broadcast_in_dim3A_160, %div3A_162 : vector<512x1xf32>
    %sub3A_164 = vector.broadcast %div3A_154 : vector<512x1xf32> to vector<512x64xf32>
    %sub3A_165 = arith.subf %add3A_148, %sub3A_164 : vector<512x64xf32>
    %add3A_166 = arith.constant 9.99999974E-6 : f32
    %add3A_167 = vector.broadcast %add3A_166 : f32 to vector<512x1xf32>
    %add3A_168 = arith.addf %div3A_163, %add3A_167 : vector<512x1xf32>
    %sqrt3A_169 = math.sqrt %add3A_168 : vector<512x1xf32>
    %div3A_170 = arith.constant 1.000000e+00 : f32
    %div3A_171 = vector.broadcast %div3A_170 : f32 to vector<512x1xf32>
    %div3A_172 = arith.divf %div3A_171, %sqrt3A_169 : vector<512x1xf32>
    %mul3A_173 = vector.broadcast %div3A_172 : vector<512x1xf32> to vector<512x64xf32>
    %mul3A_174 = arith.mulf %sub3A_165, %mul3A_173 : vector<512x64xf32>
    %mul3A_175 = vector.broadcast %get3A_4 : vector<1x64xf32> to vector<512x64xf32>
    %mul3A_176 = arith.mulf %mul3A_174, %mul3A_175 : vector<512x64xf32>
    %add3A_177 = vector.broadcast %get3A_7 : vector<1x64xf32> to vector<512x64xf32>
    %add3A_178 = arith.addf %mul3A_176, %add3A_177 : vector<512x64xf32>
    %mul3A_179 = arith.mulf %add3A_178, %add3A_178 : vector<512x64xf32>
    %reduce_sum3A_180 = arith.constant dense<0.000000e+00> : vector<512xf32>
    %reduce_sum3A_181 = vector.multi_reduction <add>, %mul3A_179, %reduce_sum3A_180 [1] : vector<512x64xf32> to vector<512xf32>
    %broadcast_in_dim3A_182 = vector.shape_cast %reduce_sum3A_181 : vector<512xf32> to vector<512x1xf32>
    %sqrt3A_183 = math.sqrt %broadcast_in_dim3A_182 : vector<512x1xf32>
    %max3A_184 = arith.constant 9.99999996E-13 : f32
    %max3A_185 = vector.broadcast %max3A_184 : f32 to vector<512x1xf32>
    %max3A_186 = arith.maximumf %sqrt3A_183, %max3A_185 : vector<512x1xf32>
    %div3A_187 = arith.constant 1.000000e+00 : f32
    %div3A_188 = vector.broadcast %div3A_187 : f32 to vector<512x1xf32>
    %div3A_189 = arith.divf %div3A_188, %max3A_186 : vector<512x1xf32>
    %mul3A_190 = vector.broadcast %div3A_189 : vector<512x1xf32> to vector<512x64xf32>
    %mul3A_191 = arith.mulf %add3A_178, %mul3A_190 : vector<512x64xf32>
    %get3A_192 = arith.constant 1 : index
    %get3A_193 = arith.constant 0 : index
    %get3A_194 = arith.constant 0 : index
    %get3A_195 = vector.load %arg15[%get3A_192, %get3A_193, %get3A_194] : memref<4x1024x64xf32, #tpu.memory_space<vmem>>, vector<1x1024x64xf32>
    %get3A_196 = vector.shape_cast %get3A_195 : vector<1x1024x64xf32> to vector<1024x64xf32>
    %dot_general3A_197 = arith.constant dense<0.000000e+00> : vector<512x1024xf32>
    %dot_general3A_198 = tpu.matmul %mul3A_191, %get3A_196, %dot_general3A_197 {dimension_numbers = #tpu.dot_dimension_numbers<[1], [1], [0], [0], [0, 0, 1, 0], [], []>, transpose_lhs_hint = false} : vector<512x64xf32>, vector<1024x64xf32>, vector<512x1024xf32> -> vector<512x1024xf32>
    %sub3A_199 = arith.constant 1.000000e+00 : f32
    %sub3A_200 = vector.broadcast %sub3A_199 : f32 to vector<512x1024xf32>
    %sub3A_201 = arith.subf %sub3A_200, %dot_general3A_198 : vector<512x1024xf32>
    %argmin3A_202 = tpu.reduce_index %sub3A_201 {axis = 1 : i32, kind = #tpu.reduction_kind<arg_min>} : vector<512x1024xf32> -> vector<512xi32>
    %reshape3A_203 = vector.shape_cast %argmin3A_202 : vector<512xi32> to vector<512x1xi32>
    %get3A_204 = arith.constant 2 : index
    %get3A_205 = arith.constant 0 : index
    %get3A_206 = arith.constant 0 : index
    %get3A_207 = vector.load %arg2[%get3A_204, %get3A_205, %get3A_206] : memref<4x256x256xf32, #tpu.memory_space<vmem>>, vector<1x256x256xf32>
    %get3A_208 = vector.shape_cast %get3A_207 : vector<1x256x256xf32> to vector<256x256xf32>
    %dot_general3A_209 = arith.constant dense<0.000000e+00> : vector<512x256xf32>
    %dot_general3A_210 = tpu.matmul %get3A_1, %get3A_208, %dot_general3A_209 {dimension_numbers = #tpu.dot_dimension_numbers<[1], [0], [0], [1], [0, 0, 1, 1], [], []>, transpose_lhs_hint = false} : vector<512x256xf32>, vector<256x256xf32>, vector<512x256xf32> -> vector<512x256xf32>
    %get3A_211 = arith.constant 2 : index
    %get3A_212 = arith.constant 0 : index
    %get3A_213 = arith.constant 0 : index
    %get3A_214 = vector.load %arg3[%get3A_211, %get3A_212, %get3A_213] : memref<4x1x256xf32, #tpu.memory_space<vmem>>, vector<1x1x256xf32>
    %get3A_215 = vector.shape_cast %get3A_214 : vector<1x1x256xf32> to vector<1x256xf32>
    %add3A_216 = vector.broadcast %get3A_215 : vector<1x256xf32> to vector<512x256xf32>
    %add3A_217 = arith.addf %dot_general3A_210, %add3A_216 : vector<512x256xf32>
    %max3A_218 = arith.constant 0.000000e+00 : f32
    %max3A_219 = vector.broadcast %max3A_218 : f32 to vector<512x256xf32>
    %max3A_220 = arith.maximumf %add3A_217, %max3A_219 : vector<512x256xf32>
    %get3A_221 = arith.constant 2 : index
    %get3A_222 = arith.constant 0 : index
    %get3A_223 = arith.constant 0 : index
    %get3A_224 = vector.load %arg4[%get3A_221, %get3A_222, %get3A_223] : memref<4x256x128xf32, #tpu.memory_space<vmem>>, vector<1x256x128xf32>
    %get3A_225 = vector.shape_cast %get3A_224 : vector<1x256x128xf32> to vector<256x128xf32>
    %dot_general3A_226 = arith.constant dense<0.000000e+00> : vector<512x128xf32>
    %dot_general3A_227 = tpu.matmul %max3A_220, %get3A_225, %dot_general3A_226 {dimension_numbers = #tpu.dot_dimension_numbers<[1], [0], [0], [1], [0, 0, 1, 1], [], []>, transpose_lhs_hint = false} : vector<512x256xf32>, vector<256x128xf32>, vector<512x128xf32> -> vector<512x128xf32>
    %get3A_228 = arith.constant 2 : index
    %get3A_229 = arith.constant 0 : index
    %get3A_230 = arith.constant 0 : index
    %get3A_231 = vector.load %arg5[%get3A_228, %get3A_229, %get3A_230] : memref<4x1x128xf32, #tpu.memory_space<vmem>>, vector<1x1x128xf32>
    %get3A_232 = vector.shape_cast %get3A_231 : vector<1x1x128xf32> to vector<1x128xf32>
    %add3A_233 = vector.broadcast %get3A_232 : vector<1x128xf32> to vector<512x128xf32>
    %add3A_234 = arith.addf %dot_general3A_227, %add3A_233 : vector<512x128xf32>
    %max3A_235 = arith.constant 0.000000e+00 : f32
    %max3A_236 = vector.broadcast %max3A_235 : f32 to vector<512x128xf32>
    %max3A_237 = arith.maximumf %add3A_234, %max3A_236 : vector<512x128xf32>
    %get3A_238 = arith.constant 2 : index
    %get3A_239 = arith.constant 0 : index
    %get3A_240 = arith.constant 0 : index
    %get3A_241 = vector.load %arg6[%get3A_238, %get3A_239, %get3A_240] : memref<4x128x64xf32, #tpu.memory_space<vmem>>, vector<1x128x64xf32>
    %get3A_242 = vector.shape_cast %get3A_241 : vector<1x128x64xf32> to vector<128x64xf32>
    %dot_general3A_243 = arith.constant dense<0.000000e+00> : vector<512x64xf32>
    %dot_general3A_244 = tpu.matmul %max3A_237, %get3A_242, %dot_general3A_243 {dimension_numbers = #tpu.dot_dimension_numbers<[1], [0], [0], [1], [0, 0, 1, 1], [], []>, transpose_lhs_hint = false} : vector<512x128xf32>, vector<128x64xf32>, vector<512x64xf32> -> vector<512x64xf32>
    %get3A_245 = arith.constant 2 : index
    %get3A_246 = arith.constant 0 : index
    %get3A_247 = arith.constant 0 : index
    %get3A_248 = vector.load %arg7[%get3A_245, %get3A_246, %get3A_247] : memref<4x1x64xf32, #tpu.memory_space<vmem>>, vector<1x1x64xf32>
    %get3A_249 = vector.shape_cast %get3A_248 : vector<1x1x64xf32> to vector<1x64xf32>
    %add3A_250 = vector.broadcast %get3A_249 : vector<1x64xf32> to vector<512x64xf32>
    %add3A_251 = arith.addf %dot_general3A_244, %add3A_250 : vector<512x64xf32>
    %reduce_sum3A_252 = arith.constant dense<0.000000e+00> : vector<512xf32>
    %reduce_sum3A_253 = vector.multi_reduction <add>, %add3A_251, %reduce_sum3A_252 [1] : vector<512x64xf32> to vector<512xf32>
    %broadcast_in_dim3A_254 = vector.shape_cast %reduce_sum3A_253 : vector<512xf32> to vector<512x1xf32>
    %div3A_255 = arith.constant 6.400000e+01 : f32
    %div3A_256 = vector.broadcast %div3A_255 : f32 to vector<512x1xf32>
    %div3A_257 = arith.divf %broadcast_in_dim3A_254, %div3A_256 : vector<512x1xf32>
    %sub3A_258 = vector.broadcast %div3A_257 : vector<512x1xf32> to vector<512x64xf32>
    %sub3A_259 = arith.subf %add3A_251, %sub3A_258 : vector<512x64xf32>
    %integer_pow3A_260 = arith.mulf %sub3A_259, %sub3A_259 : vector<512x64xf32>
    %reduce_sum3A_261 = arith.constant dense<0.000000e+00> : vector<512xf32>
    %reduce_sum3A_262 = vector.multi_reduction <add>, %integer_pow3A_260, %reduce_sum3A_261 [1] : vector<512x64xf32> to vector<512xf32>
    %broadcast_in_dim3A_263 = vector.shape_cast %reduce_sum3A_262 : vector<512xf32> to vector<512x1xf32>
    %div3A_264 = arith.constant 6.400000e+01 : f32
    %div3A_265 = vector.broadcast %div3A_264 : f32 to vector<512x1xf32>
    %div3A_266 = arith.divf %broadcast_in_dim3A_263, %div3A_265 : vector<512x1xf32>
    %sub3A_267 = vector.broadcast %div3A_257 : vector<512x1xf32> to vector<512x64xf32>
    %sub3A_268 = arith.subf %add3A_251, %sub3A_267 : vector<512x64xf32>
    %add3A_269 = arith.constant 9.99999974E-6 : f32
    %add3A_270 = vector.broadcast %add3A_269 : f32 to vector<512x1xf32>
    %add3A_271 = arith.addf %div3A_266, %add3A_270 : vector<512x1xf32>
    %sqrt3A_272 = math.sqrt %add3A_271 : vector<512x1xf32>
    %div3A_273 = arith.constant 1.000000e+00 : f32
    %div3A_274 = vector.broadcast %div3A_273 : f32 to vector<512x1xf32>
    %div3A_275 = arith.divf %div3A_274, %sqrt3A_272 : vector<512x1xf32>
    %mul3A_276 = vector.broadcast %div3A_275 : vector<512x1xf32> to vector<512x64xf32>
    %mul3A_277 = arith.mulf %sub3A_268, %mul3A_276 : vector<512x64xf32>
    %mul3A_278 = vector.broadcast %get3A_4 : vector<1x64xf32> to vector<512x64xf32>
    %mul3A_279 = arith.mulf %mul3A_277, %mul3A_278 : vector<512x64xf32>
    %add3A_280 = vector.broadcast %get3A_7 : vector<1x64xf32> to vector<512x64xf32>
    %add3A_281 = arith.addf %mul3A_279, %add3A_280 : vector<512x64xf32>
    %mul3A_282 = arith.mulf %add3A_281, %add3A_281 : vector<512x64xf32>
    %reduce_sum3A_283 = arith.constant dense<0.000000e+00> : vector<512xf32>
    %reduce_sum3A_284 = vector.multi_reduction <add>, %mul3A_282, %reduce_sum3A_283 [1] : vector<512x64xf32> to vector<512xf32>
    %broadcast_in_dim3A_285 = vector.shape_cast %reduce_sum3A_284 : vector<512xf32> to vector<512x1xf32>
    %sqrt3A_286 = math.sqrt %broadcast_in_dim3A_285 : vector<512x1xf32>
    %max3A_287 = arith.constant 9.99999996E-13 : f32
    %max3A_288 = vector.broadcast %max3A_287 : f32 to vector<512x1xf32>
    %max3A_289 = arith.maximumf %sqrt3A_286, %max3A_288 : vector<512x1xf32>
    %div3A_290 = arith.constant 1.000000e+00 : f32
    %div3A_291 = vector.broadcast %div3A_290 : f32 to vector<512x1xf32>
    %div3A_292 = arith.divf %div3A_291, %max3A_289 : vector<512x1xf32>
    %mul3A_293 = vector.broadcast %div3A_292 : vector<512x1xf32> to vector<512x64xf32>
    %mul3A_294 = arith.mulf %add3A_281, %mul3A_293 : vector<512x64xf32>
    %get3A_295 = arith.constant 2 : index
    %get3A_296 = arith.constant 0 : index
    %get3A_297 = arith.constant 0 : index
    %get3A_298 = vector.load %arg15[%get3A_295, %get3A_296, %get3A_297] : memref<4x1024x64xf32, #tpu.memory_space<vmem>>, vector<1x1024x64xf32>
    %get3A_299 = vector.shape_cast %get3A_298 : vector<1x1024x64xf32> to vector<1024x64xf32>
    %dot_general3A_300 = arith.constant dense<0.000000e+00> : vector<512x1024xf32>
    %dot_general3A_301 = tpu.matmul %mul3A_294, %get3A_299, %dot_general3A_300 {dimension_numbers = #tpu.dot_dimension_numbers<[1], [1], [0], [0], [0, 0, 1, 0], [], []>, transpose_lhs_hint = false} : vector<512x64xf32>, vector<1024x64xf32>, vector<512x1024xf32> -> vector<512x1024xf32>
    %sub3A_302 = arith.constant 1.000000e+00 : f32
    %sub3A_303 = vector.broadcast %sub3A_302 : f32 to vector<512x1024xf32>
    %sub3A_304 = arith.subf %sub3A_303, %dot_general3A_301 : vector<512x1024xf32>
    %argmin3A_305 = tpu.reduce_index %sub3A_304 {axis = 1 : i32, kind = #tpu.reduction_kind<arg_min>} : vector<512x1024xf32> -> vector<512xi32>
    %reshape3A_306 = vector.shape_cast %argmin3A_305 : vector<512xi32> to vector<512x1xi32>
    %get3A_307 = arith.constant 3 : index
    %get3A_308 = arith.constant 0 : index
    %get3A_309 = arith.constant 0 : index
    %get3A_310 = vector.load %arg2[%get3A_307, %get3A_308, %get3A_309] : memref<4x256x256xf32, #tpu.memory_space<vmem>>, vector<1x256x256xf32>
    %get3A_311 = vector.shape_cast %get3A_310 : vector<1x256x256xf32> to vector<256x256xf32>
    %dot_general3A_312 = arith.constant dense<0.000000e+00> : vector<512x256xf32>
    %dot_general3A_313 = tpu.matmul %get3A_1, %get3A_311, %dot_general3A_312 {dimension_numbers = #tpu.dot_dimension_numbers<[1], [0], [0], [1], [0, 0, 1, 1], [], []>, transpose_lhs_hint = false} : vector<512x256xf32>, vector<256x256xf32>, vector<512x256xf32> -> vector<512x256xf32>
    %get3A_314 = arith.constant 3 : index
    %get3A_315 = arith.constant 0 : index
    %get3A_316 = arith.constant 0 : index
    %get3A_317 = vector.load %arg3[%get3A_314, %get3A_315, %get3A_316] : memref<4x1x256xf32, #tpu.memory_space<vmem>>, vector<1x1x256xf32>
    %get3A_318 = vector.shape_cast %get3A_317 : vector<1x1x256xf32> to vector<1x256xf32>
    %add3A_319 = vector.broadcast %get3A_318 : vector<1x256xf32> to vector<512x256xf32>
    %add3A_320 = arith.addf %dot_general3A_313, %add3A_319 : vector<512x256xf32>
    %max3A_321 = arith.constant 0.000000e+00 : f32
    %max3A_322 = vector.broadcast %max3A_321 : f32 to vector<512x256xf32>
    %max3A_323 = arith.maximumf %add3A_320, %max3A_322 : vector<512x256xf32>
    %get3A_324 = arith.constant 3 : index
    %get3A_325 = arith.constant 0 : index
    %get3A_326 = arith.constant 0 : index
    %get3A_327 = vector.load %arg4[%get3A_324, %get3A_325, %get3A_326] : memref<4x256x128xf32, #tpu.memory_space<vmem>>, vector<1x256x128xf32>
    %get3A_328 = vector.shape_cast %get3A_327 : vector<1x256x128xf32> to vector<256x128xf32>
    %dot_general3A_329 = arith.constant dense<0.000000e+00> : vector<512x128xf32>
    %dot_general3A_330 = tpu.matmul %max3A_323, %get3A_328, %dot_general3A_329 {dimension_numbers = #tpu.dot_dimension_numbers<[1], [0], [0], [1], [0, 0, 1, 1], [], []>, transpose_lhs_hint = false} : vector<512x256xf32>, vector<256x128xf32>, vector<512x128xf32> -> vector<512x128xf32>
    %get3A_331 = arith.constant 3 : index
    %get3A_332 = arith.constant 0 : index
    %get3A_333 = arith.constant 0 : index
    %get3A_334 = vector.load %arg5[%get3A_331, %get3A_332, %get3A_333] : memref<4x1x128xf32, #tpu.memory_space<vmem>>, vector<1x1x128xf32>
    %get3A_335 = vector.shape_cast %get3A_334 : vector<1x1x128xf32> to vector<1x128xf32>
    %add3A_336 = vector.broadcast %get3A_335 : vector<1x128xf32> to vector<512x128xf32>
    %add3A_337 = arith.addf %dot_general3A_330, %add3A_336 : vector<512x128xf32>
    %max3A_338 = arith.constant 0.000000e+00 : f32
    %max3A_339 = vector.broadcast %max3A_338 : f32 to vector<512x128xf32>
    %max3A_340 = arith.maximumf %add3A_337, %max3A_339 : vector<512x128xf32>
    %get3A_341 = arith.constant 3 : index
    %get3A_342 = arith.constant 0 : index
    %get3A_343 = arith.constant 0 : index
    %get3A_344 = vector.load %arg6[%get3A_341, %get3A_342, %get3A_343] : memref<4x128x64xf32, #tpu.memory_space<vmem>>, vector<1x128x64xf32>
    %get3A_345 = vector.shape_cast %get3A_344 : vector<1x128x64xf32> to vector<128x64xf32>
    %dot_general3A_346 = arith.constant dense<0.000000e+00> : vector<512x64xf32>
    %dot_general3A_347 = tpu.matmul %max3A_340, %get3A_345, %dot_general3A_346 {dimension_numbers = #tpu.dot_dimension_numbers<[1], [0], [0], [1], [0, 0, 1, 1], [], []>, transpose_lhs_hint = false} : vector<512x128xf32>, vector<128x64xf32>, vector<512x64xf32> -> vector<512x64xf32>
    %get3A_348 = arith.constant 3 : index
    %get3A_349 = arith.constant 0 : index
    %get3A_350 = arith.constant 0 : index
    %get3A_351 = vector.load %arg7[%get3A_348, %get3A_349, %get3A_350] : memref<4x1x64xf32, #tpu.memory_space<vmem>>, vector<1x1x64xf32>
    %get3A_352 = vector.shape_cast %get3A_351 : vector<1x1x64xf32> to vector<1x64xf32>
    %add3A_353 = vector.broadcast %get3A_352 : vector<1x64xf32> to vector<512x64xf32>
    %add3A_354 = arith.addf %dot_general3A_347, %add3A_353 : vector<512x64xf32>
    %reduce_sum3A_355 = arith.constant dense<0.000000e+00> : vector<512xf32>
    %reduce_sum3A_356 = vector.multi_reduction <add>, %add3A_354, %reduce_sum3A_355 [1] : vector<512x64xf32> to vector<512xf32>
    %broadcast_in_dim3A_357 = vector.shape_cast %reduce_sum3A_356 : vector<512xf32> to vector<512x1xf32>
    %div3A_358 = arith.constant 6.400000e+01 : f32
    %div3A_359 = vector.broadcast %div3A_358 : f32 to vector<512x1xf32>
    %div3A_360 = arith.divf %broadcast_in_dim3A_357, %div3A_359 : vector<512x1xf32>
    %sub3A_361 = vector.broadcast %div3A_360 : vector<512x1xf32> to vector<512x64xf32>
    %sub3A_362 = arith.subf %add3A_354, %sub3A_361 : vector<512x64xf32>
    %integer_pow3A_363 = arith.mulf %sub3A_362, %sub3A_362 : vector<512x64xf32>
    %reduce_sum3A_364 = arith.constant dense<0.000000e+00> : vector<512xf32>
    %reduce_sum3A_365 = vector.multi_reduction <add>, %integer_pow3A_363, %reduce_sum3A_364 [1] : vector<512x64xf32> to vector<512xf32>
    %broadcast_in_dim3A_366 = vector.shape_cast %reduce_sum3A_365 : vector<512xf32> to vector<512x1xf32>
    %div3A_367 = arith.constant 6.400000e+01 : f32
    %div3A_368 = vector.broadcast %div3A_367 : f32 to vector<512x1xf32>
    %div3A_369 = arith.divf %broadcast_in_dim3A_366, %div3A_368 : vector<512x1xf32>
    %sub3A_370 = vector.broadcast %div3A_360 : vector<512x1xf32> to vector<512x64xf32>
    %sub3A_371 = arith.subf %add3A_354, %sub3A_370 : vector<512x64xf32>
    %add3A_372 = arith.constant 9.99999974E-6 : f32
    %add3A_373 = vector.broadcast %add3A_372 : f32 to vector<512x1xf32>
    %add3A_374 = arith.addf %div3A_369, %add3A_373 : vector<512x1xf32>
    %sqrt3A_375 = math.sqrt %add3A_374 : vector<512x1xf32>
    %div3A_376 = arith.constant 1.000000e+00 : f32
    %div3A_377 = vector.broadcast %div3A_376 : f32 to vector<512x1xf32>
    %div3A_378 = arith.divf %div3A_377, %sqrt3A_375 : vector<512x1xf32>
    %mul3A_379 = vector.broadcast %div3A_378 : vector<512x1xf32> to vector<512x64xf32>
    %mul3A_380 = arith.mulf %sub3A_371, %mul3A_379 : vector<512x64xf32>
    %mul3A_381 = vector.broadcast %get3A_4 : vector<1x64xf32> to vector<512x64xf32>
    %mul3A_382 = arith.mulf %mul3A_380, %mul3A_381 : vector<512x64xf32>
    %add3A_383 = vector.broadcast %get3A_7 : vector<1x64xf32> to vector<512x64xf32>
    %add3A_384 = arith.addf %mul3A_382, %add3A_383 : vector<512x64xf32>
    %mul3A_385 = arith.mulf %add3A_384, %add3A_384 : vector<512x64xf32>
    %reduce_sum3A_386 = arith.constant dense<0.000000e+00> : vector<512xf32>
    %reduce_sum3A_387 = vector.multi_reduction <add>, %mul3A_385, %reduce_sum3A_386 [1] : vector<512x64xf32> to vector<512xf32>
    %broadcast_in_dim3A_388 = vector.shape_cast %reduce_sum3A_387 : vector<512xf32> to vector<512x1xf32>
    %sqrt3A_389 = math.sqrt %broadcast_in_dim3A_388 : vector<512x1xf32>
    %max3A_390 = arith.constant 9.99999996E-13 : f32
    %max3A_391 = vector.broadcast %max3A_390 : f32 to vector<512x1xf32>
    %max3A_392 = arith.maximumf %sqrt3A_389, %max3A_391 : vector<512x1xf32>
    %div3A_393 = arith.constant 1.000000e+00 : f32
    %div3A_394 = vector.broadcast %div3A_393 : f32 to vector<512x1xf32>
    %div3A_395 = arith.divf %div3A_394, %max3A_392 : vector<512x1xf32>
    %mul3A_396 = vector.broadcast %div3A_395 : vector<512x1xf32> to vector<512x64xf32>
    %mul3A_397 = arith.mulf %add3A_384, %mul3A_396 : vector<512x64xf32>
    %get3A_398 = arith.constant 3 : index
    %get3A_399 = arith.constant 0 : index
    %get3A_400 = arith.constant 0 : index
    %get3A_401 = vector.load %arg15[%get3A_398, %get3A_399, %get3A_400] : memref<4x1024x64xf32, #tpu.memory_space<vmem>>, vector<1x1024x64xf32>
    %get3A_402 = vector.shape_cast %get3A_401 : vector<1x1024x64xf32> to vector<1024x64xf32>
    %dot_general3A_403 = arith.constant dense<0.000000e+00> : vector<512x1024xf32>
    %dot_general3A_404 = tpu.matmul %mul3A_397, %get3A_402, %dot_general3A_403 {dimension_numbers = #tpu.dot_dimension_numbers<[1], [1], [0], [0], [0, 0, 1, 0], [], []>, transpose_lhs_hint = false} : vector<512x64xf32>, vector<1024x64xf32>, vector<512x1024xf32> -> vector<512x1024xf32>
    %sub3A_405 = arith.constant 1.000000e+00 : f32
    %sub3A_406 = vector.broadcast %sub3A_405 : f32 to vector<512x1024xf32>
    %sub3A_407 = arith.subf %sub3A_406, %dot_general3A_404 : vector<512x1024xf32>
    %argmin3A_408 = tpu.reduce_index %sub3A_407 {axis = 1 : i32, kind = #tpu.reduction_kind<arg_min>} : vector<512x1024xf32> -> vector<512xi32>
    %reshape3A_409 = vector.shape_cast %argmin3A_408 : vector<512xi32> to vector<512x1xi32>
    %concatenate3A = tpu.concatenate %reshape3A, %reshape3A_203, %reshape3A_306, %reshape3A_409 in 1 : vector<512x1xi32>, vector<512x1xi32>, vector<512x1xi32>, vector<512x1xi32> -> vector<512x4xi32>
    %swap3A = arith.constant 0 : index
    %swap3A_410 = arith.constant 0 : index
    %swap3A_411 = vector.load %arg11[%swap3A, %swap3A_410] : memref<512x4xi32, #tpu.memory_space<vmem>>, vector<512x4xi32>
    tpu.vector_store %arg11[%swap3A, %swap3A_410], %concatenate3A {strides = array<i32>} : memref<512x4xi32, #tpu.memory_space<vmem>>, vector<512x4xi32>,
    %iota3A = tpu.iota {dimensions = array<i32: 1>} : vector<512x4xi32>
    %mul3A_412 = arith.constant 1024 : i32
    %mul3A_413 = vector.broadcast %mul3A_412 : i32 to vector<512x4xi32>
    %mul3A_414 = arith.muli %iota3A, %mul3A_413 : vector<512x4xi32>
    %add3A_415 = arith.addi %concatenate3A, %mul3A_414 : vector<512x4xi32>
    %swap3A_416 = arith.constant 0 : index
    %swap3A_417 = arith.constant 0 : index
    %swap3A_418 = vector.load %arg12[%swap3A_416, %swap3A_417] : memref<512x4xi32, #tpu.memory_space<vmem>>, vector<512x4xi32>
    tpu.vector_store %arg12[%swap3A_416, %swap3A_417], %add3A_415 {strides = array<i32>} : memref<512x4xi32, #tpu.memory_space<vmem>>, vector<512x4xi32>,
    %concatenate3A_419 = tpu.concatenate %add3A_77, %add3A_178, %add3A_281, %add3A_384 in 1 : vector<512x64xf32>, vector<512x64xf32>, vector<512x64xf32>, vector<512x64xf32> -> vector<512x256xf32>
    %swap3A_420 = arith.constant 0 : index
    %swap3A_421 = arith.constant 0 : index
    %swap3A_422 = vector.load %arg13[%swap3A_420, %swap3A_421] : memref<512x256xf32, #tpu.memory_space<vmem>>, vector<512x256xf32>
    tpu.vector_store %arg13[%swap3A_420, %swap3A_421], %concatenate3A_419 {strides = array<i32>} : memref<512x256xf32, #tpu.memory_space<vmem>>, vector<512x256xf32>,
    return
  }
  func.func @transform_0(%arg0: i32) -> (i32, i32) {
    %c0_i32 = arith.constant 0 : i32
    %c0_i32_0 = arith.constant 0 : i32
    return %arg0, %c0_i32 : i32, i32
  }
  func.func @transform_1(%arg0: i32) -> (i32, i32, i32) {
    %c0_i32 = arith.constant 0 : i32
    %c0_i32_0 = arith.constant 0 : i32
    %c0_i32_1 = arith.constant 0 : i32
    %c0_i32_2 = arith.constant 0 : i32
    return %c0_i32, %c0_i32_0, %c0_i32_1 : i32, i32, i32
  }
  func.func @transform_2(%arg0: i32) -> (i32, i32, i32) {
    %c0_i32 = arith.constant 0 : i32
    %c0_i32_0 = arith.constant 0 : i32
    %c0_i32_1 = arith.constant 0 : i32
    %c0_i32_2 = arith.constant 0 : i32
    return %c0_i32, %c0_i32_0, %c0_i32_1 : i32, i32, i32
  }
  func.func @transform_3(%arg0: i32) -> (i32, i32, i32) {
    %c0_i32 = arith.constant 0 : i32
    %c0_i32_0 = arith.constant 0 : i32
    %c0_i32_1 = arith.constant 0 : i32
    %c0_i32_2 = arith.constant 0 : i32
    return %c0_i32, %c0_i32_0, %c0_i32_1 : i32, i32, i32
  }
  func.func @transform_4(%arg0: i32) -> (i32, i32, i32) {
    %c0_i32 = arith.constant 0 : i32
    %c0_i32_0 = arith.constant 0 : i32
    %c0_i32_1 = arith.constant 0 : i32
    %c0_i32_2 = arith.constant 0 : i32
    return %c0_i32, %c0_i32_0, %c0_i32_1 : i32, i32, i32
  }
  func.func @transform_5(%arg0: i32) -> (i32, i32, i32) {
    %c0_i32 = arith.constant 0 : i32
    %c0_i32_0 = arith.constant 0 : i32
    %c0_i32_1 = arith.constant 0 : i32
    %c0_i32_2 = arith.constant 0 : i32
    return %c0_i32, %c0_i32_0, %c0_i32_1 : i32, i32, i32
  }
  func.func @transform_6(%arg0: i32) -> (i32, i32, i32) {
    %c0_i32 = arith.constant 0 : i32
    %c0_i32_0 = arith.constant 0 : i32
    %c0_i32_1 = arith.constant 0 : i32
    %c0_i32_2 = arith.constant 0 : i32
    return %c0_i32, %c0_i32_0, %c0_i32_1 : i32, i32, i32
  }
  func.func @transform_7(%arg0: i32) -> (i32, i32) {
    %c0_i32 = arith.constant 0 : i32
    %c0_i32_0 = arith.constant 0 : i32
    %c0_i32_1 = arith.constant 0 : i32
    return %c0_i32, %c0_i32_0 : i32, i32
  }
  func.func @transform_8(%arg0: i32) -> (i32, i32) {
    %c0_i32 = arith.constant 0 : i32
    %c0_i32_0 = arith.constant 0 : i32
    %c0_i32_1 = arith.constant 0 : i32
    return %c0_i32, %c0_i32_0 : i32, i32
  }
  func.func @transform_9(%arg0: i32) -> (i32, i32, i32) {
    %c0_i32 = arith.constant 0 : i32
    %c0_i32_0 = arith.constant 0 : i32
    %c0_i32_1 = arith.constant 0 : i32
    %c0_i32_2 = arith.constant 0 : i32
    return %c0_i32, %c0_i32_0, %c0_i32_1 : i32, i32, i32
  }
  func.func @transform_10(%arg0: i32) -> (i32, i32) {
    %c0_i32 = arith.constant 0 : i32
    %c0_i32_0 = arith.constant 0 : i32
    return %arg0, %c0_i32 : i32, i32
  }
  func.func @transform_11(%arg0: i32) -> (i32, i32) {
    %c0_i32 = arith.constant 0 : i32
    %c0_i32_0 = arith.constant 0 : i32
    return %arg0, %c0_i32 : i32, i32
  }
  func.func @transform_12(%arg0: i32) -> (i32, i32) {
    %c0_i32 = arith.constant 0 : i32
    %c0_i32_0 = arith.constant 0 : i32
    return %arg0, %c0_i32 : i32, i32
  }
  func.func @transform_13(%arg0: i32) -> (i32, i32) {
    %c0_i32 = arith.constant 0 : i32
    %c0_i32_0 = arith.constant 0 : i32
    %c0_i32_1 = arith.constant 0 : i32
    return %c0_i32, %c0_i32_0 : i32, i32
  }
}

module attributes {stable_mosaic.version = 14 : i64} {
  func.func @_decode(%arg0: i32, %arg1: memref<512x256xf32, #tpu.memory_space<vmem>>, %arg2: memref<512x256xf32, #tpu.memory_space<vmem>>, %arg3: memref<2048x128xf32, #tpu.memory_space<vmem>>, %arg4: memref<64x128xf32, #tpu.memory_space<vmem>>, %arg5: memref<1x128xf32, #tpu.memory_space<vmem>>, %arg6: memref<128x256xf32, #tpu.memory_space<vmem>>, %arg7: memref<1x256xf32, #tpu.memory_space<vmem>>, %arg8: memref<256x256xf32, #tpu.memory_space<vmem>>, %arg9: memref<1x256xf32, #tpu.memory_space<vmem>>, %arg10: memref<512x256xf32, #tpu.memory_space<vmem>>, %arg11: memref<1x1xf32, #tpu.memory_space<vmem>>, %arg12: memref<1x1xf32, #tpu.memory_space<vmem>>) attributes {dimension_semantics = [#tpu.dimension_semantics<arbitrary>], iteration_bounds = array<i64: 32>, scalar_prefetch = 0 : i64, scratch_operands = 0 : i64, tpu.core_type = #tpu.core_type<tc>, window_params = [{transform_indices = @transform_0, window_bounds = array<i64: 512, 256>}, {transform_indices = @transform_1, window_bounds = array<i64: 512, 256>}, {transform_indices = @transform_2, window_bounds = array<i64: 2048, 128>}, {pipeline_mode = #tpu.pipeline_mode<synchronous>, transform_indices = @transform_3, window_bounds = array<i64: 64, 128>}, {pipeline_mode = #tpu.pipeline_mode<synchronous>, transform_indices = @transform_4, window_bounds = array<i64: 1, 128>}, {pipeline_mode = #tpu.pipeline_mode<synchronous>, transform_indices = @transform_5, window_bounds = array<i64: 128, 256>}, {pipeline_mode = #tpu.pipeline_mode<synchronous>, transform_indices = @transform_6, window_bounds = array<i64: 1, 256>}, {pipeline_mode = #tpu.pipeline_mode<synchronous>, transform_indices = @transform_7, window_bounds = array<i64: 256, 256>}, {pipeline_mode = #tpu.pipeline_mode<synchronous>, transform_indices = @transform_8, window_bounds = array<i64: 1, 256>}, {transform_indices = @transform_9, window_bounds = array<i64: 512, 256>}, {pipeline_mode = #tpu.pipeline_mode<synchronous>, transform_indices = @transform_10, window_bounds = array<i64: 1, 1>}, {pipeline_mode = #tpu.pipeline_mode<synchronous>, transform_indices = @transform_11, window_bounds = array<i64: 1, 1>}]} {
    %get3A = arith.constant 0 : index
    %get3A_0 = arith.constant 0 : index
    %get3A_1 = vector.load %arg1[%get3A, %get3A_0] : memref<512x256xf32, #tpu.memory_space<vmem>>, vector<512x256xf32>
    %get3A_2 = arith.constant 0 : index
    %get3A_3 = arith.constant 0 : index
    %get3A_4 = vector.load %arg3[%get3A_2, %get3A_3] : memref<2048x128xf32, #tpu.memory_space<vmem>>, vector<2048x128xf32>
    %reshape3A = vector.shape_cast %get3A_4 : vector<2048x128xf32> to vector<512x4x128xf32>
    %broadcast_in_dim3A = arith.constant 0.000000e+00 : f32
    %broadcast_in_dim3A_5 = vector.broadcast %broadcast_in_dim3A : f32 to vector<512x64xf32>
    %get3A_6 = arith.constant 0 : index
    %get3A_7 = arith.constant 0 : index
    %get3A_8 = vector.load %arg2[%get3A_6, %get3A_7] : memref<512x256xf32, #tpu.memory_space<vmem>>, vector<512x64xf32>
    %slice3A = vector.extract_strided_slice %reshape3A {offsets = [0, 0, 0], sizes = [512, 1, 64], strides = [1, 1, 1]} : vector<512x4x128xf32> to vector<512x1x64xf32>
    %squeeze3A = vector.shape_cast %slice3A : vector<512x1x64xf32> to vector<512x64xf32>
    %sub3A = arith.subf %squeeze3A, %get3A_8 : vector<512x64xf32>
    %add3A = arith.addf %get3A_8, %sub3A : vector<512x64xf32>
    %add3A_9 = arith.addf %broadcast_in_dim3A_5, %add3A : vector<512x64xf32>
    %sub3A_10 = arith.subf %get3A_8, %add3A : vector<512x64xf32>
    %mul3A = arith.mulf %sub3A_10, %sub3A_10 : vector<512x64xf32>
    %reduce_sum3A = vector.shape_cast %mul3A : vector<512x64xf32> to vector<1x512x64xf32>
    %reduce_sum3A_11 = arith.constant dense<0.000000e+00> : vector<1xf32>
    %reduce_sum3A_12 = vector.multi_reduction <add>, %reduce_sum3A, %reduce_sum3A_11 [1, 2] : vector<1x512x64xf32> to vector<1xf32>
    %reduce_sum3A_13 = vector.shape_cast %reduce_sum3A_12 : vector<1xf32> to vector<1x1x1xf32>
    %reduce_sum3A_14 = vector.extract %reduce_sum3A_13[0, 0, 0] : f32 from vector<1x1x1xf32>
    %add3A_15 = arith.constant 0.000000e+00 : f32
    %add3A_16 = arith.addf %add3A_15, %reduce_sum3A_14 : f32
    %get3A_17 = arith.constant 0 : index
    %get3A_18 = arith.constant 64 : index
    %get3A_19 = vector.load %arg2[%get3A_17, %get3A_18] : memref<512x256xf32, #tpu.memory_space<vmem>>, vector<512x64xf32>
    %slice3A_20 = vector.extract_strided_slice %reshape3A {offsets = [0, 1, 0], sizes = [512, 1, 64], strides = [1, 1, 1]} : vector<512x4x128xf32> to vector<512x1x64xf32>
    %squeeze3A_21 = vector.shape_cast %slice3A_20 : vector<512x1x64xf32> to vector<512x64xf32>
    %sub3A_22 = arith.subf %squeeze3A_21, %get3A_19 : vector<512x64xf32>
    %add3A_23 = arith.addf %get3A_19, %sub3A_22 : vector<512x64xf32>
    %add3A_24 = arith.addf %add3A_9, %add3A_23 : vector<512x64xf32>
    %sub3A_25 = arith.subf %get3A_19, %add3A_23 : vector<512x64xf32>
    %mul3A_26 = arith.mulf %sub3A_25, %sub3A_25 : vector<512x64xf32>
    %reduce_sum3A_27 = vector.shape_cast %mul3A_26 : vector<512x64xf32> to vector<1x512x64xf32>
    %reduce_sum3A_28 = arith.constant dense<0.000000e+00> : vector<1xf32>
    %reduce_sum3A_29 = vector.multi_reduction <add>, %reduce_sum3A_27, %reduce_sum3A_28 [1, 2] : vector<1x512x64xf32> to vector<1xf32>
    %reduce_sum3A_30 = vector.shape_cast %reduce_sum3A_29 : vector<1xf32> to vector<1x1x1xf32>
    %reduce_sum3A_31 = vector.extract %reduce_sum3A_30[0, 0, 0] : f32 from vector<1x1x1xf32>
    %add3A_32 = arith.addf %add3A_16, %reduce_sum3A_31 : f32
    %get3A_33 = arith.constant 0 : index
    %get3A_34 = arith.constant 128 : index
    %get3A_35 = vector.load %arg2[%get3A_33, %get3A_34] : memref<512x256xf32, #tpu.memory_space<vmem>>, vector<512x64xf32>
    %slice3A_36 = vector.extract_strided_slice %reshape3A {offsets = [0, 2, 0], sizes = [512, 1, 64], strides = [1, 1, 1]} : vector<512x4x128xf32> to vector<512x1x64xf32>
    %squeeze3A_37 = vector.shape_cast %slice3A_36 : vector<512x1x64xf32> to vector<512x64xf32>
    %sub3A_38 = arith.subf %squeeze3A_37, %get3A_35 : vector<512x64xf32>
    %add3A_39 = arith.addf %get3A_35, %sub3A_38 : vector<512x64xf32>
    %add3A_40 = arith.addf %add3A_24, %add3A_39 : vector<512x64xf32>
    %sub3A_41 = arith.subf %get3A_35, %add3A_39 : vector<512x64xf32>
    %mul3A_42 = arith.mulf %sub3A_41, %sub3A_41 : vector<512x64xf32>
    %reduce_sum3A_43 = vector.shape_cast %mul3A_42 : vector<512x64xf32> to vector<1x512x64xf32>
    %reduce_sum3A_44 = arith.constant dense<0.000000e+00> : vector<1xf32>
    %reduce_sum3A_45 = vector.multi_reduction <add>, %reduce_sum3A_43, %reduce_sum3A_44 [1, 2] : vector<1x512x64xf32> to vector<1xf32>
    %reduce_sum3A_46 = vector.shape_cast %reduce_sum3A_45 : vector<1xf32> to vector<1x1x1xf32>
    %reduce_sum3A_47 = vector.extract %reduce_sum3A_46[0, 0, 0] : f32 from vector<1x1x1xf32>
    %add3A_48 = arith.addf %add3A_32, %reduce_sum3A_47 : f32
    %get3A_49 = arith.constant 0 : index
    %get3A_50 = arith.constant 192 : index
    %get3A_51 = vector.load %arg2[%get3A_49, %get3A_50] : memref<512x256xf32, #tpu.memory_space<vmem>>, vector<512x64xf32>
    %slice3A_52 = vector.extract_strided_slice %reshape3A {offsets = [0, 3, 0], sizes = [512, 1, 64], strides = [1, 1, 1]} : vector<512x4x128xf32> to vector<512x1x64xf32>
    %squeeze3A_53 = vector.shape_cast %slice3A_52 : vector<512x1x64xf32> to vector<512x64xf32>
    %sub3A_54 = arith.subf %squeeze3A_53, %get3A_51 : vector<512x64xf32>
    %add3A_55 = arith.addf %get3A_51, %sub3A_54 : vector<512x64xf32>
    %add3A_56 = arith.addf %add3A_40, %add3A_55 : vector<512x64xf32>
    %sub3A_57 = arith.subf %get3A_51, %add3A_55 : vector<512x64xf32>
    %mul3A_58 = arith.mulf %sub3A_57, %sub3A_57 : vector<512x64xf32>
    %reduce_sum3A_59 = vector.shape_cast %mul3A_58 : vector<512x64xf32> to vector<1x512x64xf32>
    %reduce_sum3A_60 = arith.constant dense<0.000000e+00> : vector<1xf32>
    %reduce_sum3A_61 = vector.multi_reduction <add>, %reduce_sum3A_59, %reduce_sum3A_60 [1, 2] : vector<1x512x64xf32> to vector<1xf32>
    %reduce_sum3A_62 = vector.shape_cast %reduce_sum3A_61 : vector<1xf32> to vector<1x1x1xf32>
    %reduce_sum3A_63 = vector.extract %reduce_sum3A_62[0, 0, 0] : f32 from vector<1x1x1xf32>
    %add3A_64 = arith.addf %add3A_48, %reduce_sum3A_63 : f32
    %mul3A_65 = arith.constant 2.500000e-01 : f32
    %mul3A_66 = vector.broadcast %mul3A_65 : f32 to vector<512x64xf32>
    %mul3A_67 = arith.mulf %add3A_56, %mul3A_66 : vector<512x64xf32>
    %get3A_68 = arith.constant 0 : index
    %get3A_69 = arith.constant 0 : index
    %get3A_70 = vector.load %arg4[%get3A_68, %get3A_69] : memref<64x128xf32, #tpu.memory_space<vmem>>, vector<64x128xf32>
    %dot_general3A = arith.constant dense<0.000000e+00> : vector<512x128xf32>
    %dot_general3A_71 = tpu.matmul %mul3A_67, %get3A_70, %dot_general3A {dimension_numbers = #tpu.dot_dimension_numbers<[1], [0], [0], [1], [0, 0, 1, 1], [], []>, transpose_lhs_hint = false} : vector<512x64xf32>, vector<64x128xf32>, vector<512x128xf32> -> vector<512x128xf32>
    %get3A_72 = arith.constant 0 : index
    %get3A_73 = arith.constant 0 : index
    %get3A_74 = vector.load %arg5[%get3A_72, %get3A_73] : memref<1x128xf32, #tpu.memory_space<vmem>>, vector<1x128xf32>
    %add3A_75 = vector.broadcast %get3A_74 : vector<1x128xf32> to vector<512x128xf32>
    %add3A_76 = arith.addf %dot_general3A_71, %add3A_75 : vector<512x128xf32>
    %max3A = arith.constant 0.000000e+00 : f32
    %max3A_77 = vector.broadcast %max3A : f32 to vector<512x128xf32>
    %max3A_78 = arith.maximumf %add3A_76, %max3A_77 : vector<512x128xf32>
    %get3A_79 = arith.constant 0 : index
    %get3A_80 = arith.constant 0 : index
    %get3A_81 = vector.load %arg6[%get3A_79, %get3A_80] : memref<128x256xf32, #tpu.memory_space<vmem>>, vector<128x256xf32>
    %dot_general3A_82 = arith.constant dense<0.000000e+00> : vector<512x256xf32>
    %dot_general3A_83 = tpu.matmul %max3A_78, %get3A_81, %dot_general3A_82 {dimension_numbers = #tpu.dot_dimension_numbers<[1], [0], [0], [1], [0, 0, 1, 1], [], []>, transpose_lhs_hint = false} : vector<512x128xf32>, vector<128x256xf32>, vector<512x256xf32> -> vector<512x256xf32>
    %get3A_84 = arith.constant 0 : index
    %get3A_85 = arith.constant 0 : index
    %get3A_86 = vector.load %arg7[%get3A_84, %get3A_85] : memref<1x256xf32, #tpu.memory_space<vmem>>, vector<1x256xf32>
    %add3A_87 = vector.broadcast %get3A_86 : vector<1x256xf32> to vector<512x256xf32>
    %add3A_88 = arith.addf %dot_general3A_83, %add3A_87 : vector<512x256xf32>
    %max3A_89 = arith.constant 0.000000e+00 : f32
    %max3A_90 = vector.broadcast %max3A_89 : f32 to vector<512x256xf32>
    %max3A_91 = arith.maximumf %add3A_88, %max3A_90 : vector<512x256xf32>
    %get3A_92 = arith.constant 0 : index
    %get3A_93 = arith.constant 0 : index
    %get3A_94 = vector.load %arg8[%get3A_92, %get3A_93] : memref<256x256xf32, #tpu.memory_space<vmem>>, vector<256x256xf32>
    %dot_general3A_95 = arith.constant dense<0.000000e+00> : vector<512x256xf32>
    %dot_general3A_96 = tpu.matmul %max3A_91, %get3A_94, %dot_general3A_95 {dimension_numbers = #tpu.dot_dimension_numbers<[1], [0], [0], [1], [0, 0, 1, 1], [], []>, transpose_lhs_hint = false} : vector<512x256xf32>, vector<256x256xf32>, vector<512x256xf32> -> vector<512x256xf32>
    %get3A_97 = arith.constant 0 : index
    %get3A_98 = arith.constant 0 : index
    %get3A_99 = vector.load %arg9[%get3A_97, %get3A_98] : memref<1x256xf32, #tpu.memory_space<vmem>>, vector<1x256xf32>
    %add3A_100 = vector.broadcast %get3A_99 : vector<1x256xf32> to vector<512x256xf32>
    %add3A_101 = arith.addf %dot_general3A_96, %add3A_100 : vector<512x256xf32>
    %swap3A = arith.constant 0 : index
    %swap3A_102 = arith.constant 0 : index
    %swap3A_103 = vector.load %arg10[%swap3A, %swap3A_102] : memref<512x256xf32, #tpu.memory_space<vmem>>, vector<512x256xf32>
    tpu.vector_store %arg10[%swap3A, %swap3A_102], %add3A_101 {strides = array<i32>} : memref<512x256xf32, #tpu.memory_space<vmem>>, vector<512x256xf32>,
    %sub3A_104 = arith.subf %add3A_101, %get3A_1 : vector<512x256xf32>
    %mul3A_105 = arith.mulf %sub3A_104, %sub3A_104 : vector<512x256xf32>
    %reduce_sum3A_106 = vector.shape_cast %mul3A_105 : vector<512x256xf32> to vector<1x512x256xf32>
    %reduce_sum3A_107 = arith.constant dense<0.000000e+00> : vector<1xf32>
    %reduce_sum3A_108 = vector.multi_reduction <add>, %reduce_sum3A_106, %reduce_sum3A_107 [1, 2] : vector<1x512x256xf32> to vector<1xf32>
    %reduce_sum3A_109 = vector.shape_cast %reduce_sum3A_108 : vector<1xf32> to vector<1x1x1xf32>
    %reduce_sum3A_110 = vector.extract %reduce_sum3A_109[0, 0, 0] : f32 from vector<1x1x1xf32>
    %mul3A_111 = arith.constant 2.38418579E-7 : f32
    %mul3A_112 = arith.mulf %reduce_sum3A_110, %mul3A_111 : f32
    %mul3A_113 = arith.constant 9.53674316E-7 : f32
    %mul3A_114 = arith.mulf %add3A_64, %mul3A_113 : f32
    %eq3A = arith.constant 0 : i32
    %eq3A_115 = arith.cmpi eq, %arg0, %eq3A : i32
    %convert_element_type3A = arith.extui %eq3A_115 : i1 to i32
    %cond3A = arith.constant 0 : i32
    %cond3A_116 = arith.cmpi ne, %convert_element_type3A, %cond3A : i32
    scf.if %cond3A_116 {
      %broadcast_in_dim3A_133 = arith.constant 0.000000e+00 : f32
      %broadcast_in_dim3A_134 = vector.broadcast %broadcast_in_dim3A_133 : f32 to vector<1x1xf32>
      %swap3A_135 = arith.constant 0 : index
      %swap3A_136 = arith.constant 0 : index
      %swap3A_137 = vector.load %arg11[%swap3A_135, %swap3A_136] : memref<1x1xf32, #tpu.memory_space<vmem>>, vector<1x1xf32>
      tpu.vector_store %arg11[%swap3A_135, %swap3A_136], %broadcast_in_dim3A_134 {strides = array<i32>} : memref<1x1xf32, #tpu.memory_space<vmem>>, vector<1x1xf32>,
      %broadcast_in_dim3A_138 = arith.constant 0.000000e+00 : f32
      %broadcast_in_dim3A_139 = vector.broadcast %broadcast_in_dim3A_138 : f32 to vector<1x1xf32>
      %swap3A_140 = arith.constant 0 : index
      %swap3A_141 = arith.constant 0 : index
      %swap3A_142 = vector.load %arg12[%swap3A_140, %swap3A_141] : memref<1x1xf32, #tpu.memory_space<vmem>>, vector<1x1xf32>
      tpu.vector_store %arg12[%swap3A_140, %swap3A_141], %broadcast_in_dim3A_139 {strides = array<i32>} : memref<1x1xf32, #tpu.memory_space<vmem>>, vector<1x1xf32>,
    } else {
    }
    %get3A_117 = arith.constant 0 : index
    %get3A_118 = arith.constant 0 : index
    %get3A_119 = vector.load %arg11[%get3A_117, %get3A_118] : memref<1x1xf32, #tpu.memory_space<vmem>>, vector<1x1xf32>
    %reshape3A_120 = vector.broadcast %mul3A_112 : f32 to vector<1x1xf32>
    %add3A_121 = arith.addf %get3A_119, %reshape3A_120 : vector<1x1xf32>
    %swap3A_122 = arith.constant 0 : index
    %swap3A_123 = arith.constant 0 : index
    %swap3A_124 = vector.load %arg11[%swap3A_122, %swap3A_123] : memref<1x1xf32, #tpu.memory_space<vmem>>, vector<1x1xf32>
    tpu.vector_store %arg11[%swap3A_122, %swap3A_123], %add3A_121 {strides = array<i32>} : memref<1x1xf32, #tpu.memory_space<vmem>>, vector<1x1xf32>,
    %get3A_125 = arith.constant 0 : index
    %get3A_126 = arith.constant 0 : index
    %get3A_127 = vector.load %arg12[%get3A_125, %get3A_126] : memref<1x1xf32, #tpu.memory_space<vmem>>, vector<1x1xf32>
    %reshape3A_128 = vector.broadcast %mul3A_114 : f32 to vector<1x1xf32>
    %add3A_129 = arith.addf %get3A_127, %reshape3A_128 : vector<1x1xf32>
    %swap3A_130 = arith.constant 0 : index
    %swap3A_131 = arith.constant 0 : index
    %swap3A_132 = vector.load %arg12[%swap3A_130, %swap3A_131] : memref<1x1xf32, #tpu.memory_space<vmem>>, vector<1x1xf32>
    tpu.vector_store %arg12[%swap3A_130, %swap3A_131], %add3A_129 {strides = array<i32>} : memref<1x1xf32, #tpu.memory_space<vmem>>, vector<1x1xf32>,
    return
  }
  func.func @transform_0(%arg0: i32) -> (i32, i32) {
    %c0_i32 = arith.constant 0 : i32
    %c0_i32_0 = arith.constant 0 : i32
    return %arg0, %c0_i32 : i32, i32
  }
  func.func @transform_1(%arg0: i32) -> (i32, i32) {
    %c0_i32 = arith.constant 0 : i32
    %c0_i32_0 = arith.constant 0 : i32
    return %arg0, %c0_i32 : i32, i32
  }
  func.func @transform_2(%arg0: i32) -> (i32, i32) {
    %c0_i32 = arith.constant 0 : i32
    %c0_i32_0 = arith.constant 0 : i32
    return %arg0, %c0_i32 : i32, i32
  }
  func.func @transform_3(%arg0: i32) -> (i32, i32) {
    %c0_i32 = arith.constant 0 : i32
    %c0_i32_0 = arith.constant 0 : i32
    %c0_i32_1 = arith.constant 0 : i32
    return %c0_i32, %c0_i32_0 : i32, i32
  }
  func.func @transform_4(%arg0: i32) -> (i32, i32) {
    %c0_i32 = arith.constant 0 : i32
    %c0_i32_0 = arith.constant 0 : i32
    %c0_i32_1 = arith.constant 0 : i32
    return %c0_i32, %c0_i32_0 : i32, i32
  }
  func.func @transform_5(%arg0: i32) -> (i32, i32) {
    %c0_i32 = arith.constant 0 : i32
    %c0_i32_0 = arith.constant 0 : i32
    %c0_i32_1 = arith.constant 0 : i32
    return %c0_i32, %c0_i32_0 : i32, i32
  }
  func.func @transform_6(%arg0: i32) -> (i32, i32) {
    %c0_i32 = arith.constant 0 : i32
    %c0_i32_0 = arith.constant 0 : i32
    %c0_i32_1 = arith.constant 0 : i32
    return %c0_i32, %c0_i32_0 : i32, i32
  }
  func.func @transform_7(%arg0: i32) -> (i32, i32) {
    %c0_i32 = arith.constant 0 : i32
    %c0_i32_0 = arith.constant 0 : i32
    %c0_i32_1 = arith.constant 0 : i32
    return %c0_i32, %c0_i32_0 : i32, i32
  }
  func.func @transform_8(%arg0: i32) -> (i32, i32) {
    %c0_i32 = arith.constant 0 : i32
    %c0_i32_0 = arith.constant 0 : i32
    %c0_i32_1 = arith.constant 0 : i32
    return %c0_i32, %c0_i32_0 : i32, i32
  }
  func.func @transform_9(%arg0: i32) -> (i32, i32) {
    %c0_i32 = arith.constant 0 : i32
    %c0_i32_0 = arith.constant 0 : i32
    return %arg0, %c0_i32 : i32, i32
  }
  func.func @transform_10(%arg0: i32) -> (i32, i32) {
    %c0_i32 = arith.constant 0 : i32
    %c0_i32_0 = arith.constant 0 : i32
    %c0_i32_1 = arith.constant 0 : i32
    return %c0_i32, %c0_i32_0 : i32, i32
  }
  func.func @transform_11(%arg0: i32) -> (i32, i32) {
    %c0_i32 = arith.constant 0 : i32
    %c0_i32_0 = arith.constant 0 : i32
    %c0_i32_1 = arith.constant 0 : i32
    return %c0_i32, %c0_i32_0 : i32, i32
  }
}

</mosaic_0001>

<sc_bundles>
// kernel: kernel.5.cloned.1.call-start
scs
__scs_entry_jumppad:
0x0: {  	(pc) =	sbr.rel $0x88, $3  }
0x1: {  	(tag) =	ssettag $0x0;
	lr =	simm.s32 $0x1  }
0x2: {  	[smem:$0x3F91] =	sst lr;
	_ =	strace $0xD0000000  }
0x3: {  	_ = 	snop  }
0x4: {  	_ = 	snop  }
0x5: {  	_ = 	snop  }
0x6: {  	_ = 	snop  }
0x7: {  	_ = 	snop  }
__scs_overlays_trampoline_lowered:
0x8: {  	[smem:$0x3FA0] =	sst s0  }
0x9: {  	[smem:$0x3FA1] =	sst s1  }
0xa: {  	[smem:$0x3FA2] =	sst s2  }
0xb: {  	[smem:$0x3FA3] =	sst s3  }
0xc: {  	[smem:$0x3FA4] =	sst s4  }
0xd: {  	[smem:$0x3FA5] =	sst s5  }
0xe: {  	[smem:$0x3FA6] =	sst s6  }
0xf: {  	[smem:$0x3FA7] =	sst s7  }
0x10: {  	[smem:$0x3FA8] =	sst s8  }
0x11: {  	[smem:$0x3FA9] =	sst s9;
	s0 =	simm.s32 @!p0 $0x0  }
0x12: {  	s1 =	sld [smem:$0x3F8F];
	s0 =	simm.s32 @p0 $0x1  }
0x13: {  	[smem:$0x3FAA] =	sst s0;
	s0 =	simm.s32 @!p1 $0x0  }
0x14: {  	s2 =	sld [smem:$0x3F8E];
	s0 =	simm.s32 @p1 $0x1  }
0x15: {  	[smem:$0x3FAB] =	sst s0;
	s0 =	simm.s32 @!p2 $0x0  }
0x16: {  	s3 =	sld [smem:$0x3FDB];
	s0 =	simm.s32 @p2 $0x1  }
0x17: {  	s4 =	simm.s32 $0x1BF5;
	[smem:$0x3FAD] =	sst s0  }
0x18: {  	s0 =	sld [smem:$0x3F90];
	_ =	swait.ge [sflag:s4], $0x0  }
0x19: {  	s7 =	sld [smem:$0x3F91]  }
0x1a: {  	s8 =	sadd.s32 $0xFFFFE003, lr  }
0x1b: {  	s9 =	sadd.s32 $0xFFFFFEF7, lr;
	s5 =	simm.s32 $0xFFFFFFFF;
	p2 =	slt.u32 s8, $0xFFFFF086  }
0x1c: {  	p1 =	slt.u32 s9, $0xF7A;
	s5 =	simm.s32 @!p2 $0x0  }
0x1d: {  	s5 =	simm.s32 @p1 $0x1;
	p0 =	seq.s32 s7, s2  }
0x1e: {  	s7 =	smul.u32 @!p0 $0xF7A, s2;
	p2 =	seq.s32 @!p0 s5, $0x0  }
0x1f: {  	s9 =	smul.u32 $0xF7A, s1;
	s8 =	simm.s32 @!p0 $0x1BF5;
	p2 =	por !p2, p0  }
0x20: {  	[sflag:s8] =	ssyncset.s32 @!p0 $0xFFFFF086;
	s6 =	sadd.s32 @!p0 s3, s7;
	s7 =	simm.s32 @!p0 $0x108  }
0x21: {  	s3 =	sadd.s32 s3, s9;
	s6 =	sadd.s32 @!p0 $0x88, s6;
	s7 =	simm.s32 @p2 $0x1082  }
0x22: {  	[simem:s7], [sflag:s8] =	dma.local @!p0 [hbm:s6], $0xF7A  }
0x23: {  	s9 =	sor.u32 $0xD0000000, s2;
	s6 =	simm.s32 $0x108;
	_ =	swait.ge @!p0 [sflag:s8], $0x0  }
0x24: {  	s3 =	sadd.s32 $0x88, s3;
	s6 =	simm.s32 @!p1 $0x1082;
	[sflag:s4] =	ssyncset.s32 $0xFFFFF086  }
0x25: {  	[simem:s6], [sflag:s4] =	dma.local [hbm:s3], $0xF7A  }
0x26: {  	[smem:$0x3F91] =	sst s1;
	(tag) =	ssettag s2;
	_ =	strace s9  }
0x27: {  	s1 =	sld [smem:$0x3FA1]  }
0x28: {  	s2 =	sld [smem:$0x3FA2]  }
0x29: {  	s4 =	sld [smem:$0x3FA4]  }
0x2a: {  	p0 =	seq.s32 s5, $0x0;
	s5 =	sld [smem:$0x3FA5]  }
0x2b: {  	s6 =	sld [smem:$0x3FA6]  }
0x2c: {  	s7 =	sld [smem:$0x3FA7]  }
0x2d: {  	s3 =	simm.s32 $0x108;
	s8 =	sld [smem:$0x3FA8]  }
0x2e: {  	s3 =	simm.s32 @!p0 $0x1082;
	s9 =	sld [smem:$0x3FA9]  }
0x2f: {  	lr =	sadd.s32 s0, s3;
	s0 =	sld [smem:$0x3FA0]  }
0x30: {  	s3 =	sld [smem:$0x3FA3]  }
0x31: {  	[smem:$0x3FAC] =	sst s10  }
0x32: {  	s10 =	sld [smem:$0x3FAA];
	_ =	sdelay $0x3  }
0x33: {  	p0 =	seq.s32 s10, $0x1;
	s10 =	sld [smem:$0x3FAC];
	_ =	sdelay $0x3  }
0x34: {  	[smem:$0x3FAC] =	sst s10  }
0x35: {  	s10 =	sld [smem:$0x3FAB];
	_ =	sdelay $0x3  }
0x36: {  	p1 =	seq.s32 s10, $0x1;
	s10 =	sld [smem:$0x3FAC];
	_ =	sdelay $0x3  }
0x37: {  	[smem:$0x3FAC] =	sst s10  }
0x38: {  	s10 =	sld [smem:$0x3FAD]  }
0x39: {  	_ = 	snop;
	(pc) =	sbr.ind lr, $3  }
0x3a: {  	_ = 	snop  }
0x3b: {  	_ = 	snop  }
0x3c: {  	p2 =	seq.s32 s10, $0x1;
	s10 =	sld [smem:$0x3FAC]  }
0x3d: {  	_ =	shalt  }
0x3e: {  	_ =	shalt  }
0x3f: {  	_ =	shalt  }
0x40: {  	_ =	shalt  }
0x41: {  	_ =	shalt  }
0x42: {  	_ =	shalt  }
0x43: {  	_ =	shalt  }
0x44: {  	_ =	shalt  }
0x45: {  	_ =	shalt  }
0x46: {  	_ =	shalt  }
0x47: {  	_ =	shalt  }
0x48: {  	_ =	shalt  }
0x49: {  	_ =	shalt  }
0x4a: {  	_ =	shalt  }
0x4b: {  	_ =	shalt  }
0x4c: {  	_ =	shalt  }
0x4d: {  	_ =	shalt  }
0x4e: {  	_ =	shalt  }
0x4f: {  	_ =	shalt  }
0x50: {  	_ =	shalt  }
0x51: {  	_ =	shalt  }
0x52: {  	_ =	shalt  }
0x53: {  	_ =	shalt  }
0x54: {  	_ =	shalt  }
0x55: {  	_ =	shalt  }
0x56: {  	_ =	shalt  }
0x57: {  	_ =	shalt  }
0x58: {  	_ =	shalt  }
0x59: {  	_ =	shalt  }
0x5a: {  	_ =	shalt  }
0x5b: {  	_ =	shalt  }
0x5c: {  	_ =	shalt  }
0x5d: {  	_ =	shalt  }
0x5e: {  	_ =	shalt  }
0x5f: {  	_ =	shalt  }
0x60: {  	_ =	shalt  }
0x61: {  	_ =	shalt  }
0x62: {  	_ =	shalt  }
0x63: {  	_ =	shalt  }
0x64: {  	_ =	shalt  }
0x65: {  	_ =	shalt  }
0x66: {  	_ =	shalt  }
0x67: {  	_ =	shalt  }
0x68: {  	_ =	shalt  }
0x69: {  	_ =	shalt  }
0x6a: {  	_ =	shalt  }
0x6b: {  	_ =	shalt  }
0x6c: {  	_ =	shalt  }
0x6d: {  	_ =	shalt  }
0x6e: {  	_ =	shalt  }
0x6f: {  	_ =	shalt  }
0x70: {  	_ =	shalt  }
0x71: {  	_ =	shalt  }
0x72: {  	_ =	shalt  }
0x73: {  	_ =	shalt  }
0x74: {  	_ =	shalt  }
0x75: {  	_ =	shalt  }
0x76: {  	_ =	shalt  }
0x77: {  	_ =	shalt  }
0x78: {  	_ =	shalt  }
0x79: {  	_ =	shalt  }
0x7a: {  	_ =	shalt  }
0x7b: {  	_ =	shalt  }
0x7c: {  	_ =	shalt  }
0x7d: {  	_ =	shalt  }
0x7e: {  	_ =	shalt  }
0x7f: {  	_ =	shalt  }
0x80: {  	_ =	shalt  }
0x81: {  	_ =	shalt  }
0x82: {  	_ =	shalt  }
0x83: {  	_ =	shalt  }
0x84: {  	_ =	shalt  }
0x85: {  	_ =	shalt  }
0x86: {  	_ =	shalt  }
0x87: {  	_ =	shalt  }
.Lfunc_end0:
.L_simem_size_0:
called_computation_lowered:
.L_overlay_start_0:
0x88: {  	s2 =	sld [smem:$0x3FD9]  }
0x89: {  	s3 =	sld [smem:$0x3FFE];
	_ =	sdelay $0x1  }
0x8a: {  	s1 =	srdreg.scid  }
0x8b: {  	s0 =	sand.u32 $0x1, s1  }
0x8c: {  	s14 =	sshll.u32 s0, $0xA;
	s2 =	sadd.s32 s3, s2  }
0x8d: {  	s2 =	sadd.s32 s2, s14  }
0x8e: {  	[smem:$0x3FB8] =	sst s2  }
0x8f: {  	_ = 	snop  }
0x90: {  	s2 =	sld [smem:$0x3FD0];
	_ =	sdelay $0x2  }
0x91: {  	s15 =	simm.s32 $0xA;
	s4 =	simm.s32 $0x10  }
0x92: {  	[smem:s4], [sflag:s15] =	dma.local [hbm:s2], $0x1  }
0x93: {  	_ =	swait.eq [sflag:s15], $0x1  }
0x94: {  	[sflag:s15] =	ssyncset.done $0x0  }
0x95: {  	[sflag:s15] =	ssyncadd.s32 $0xFFFFFFFF  }
0x96: {  	s16 =	sld [smem:$0x11];
	(tm) =	ssettm $0x1  }
0x97: {  	s17 =	sld [smem:$0x3FFB];
	_ =	sdelay $0x3  }
0x98: {  	_ =	strace s17  }
0x99: {  	s3 =	sld [smem:$0x3FFC];
	_ =	sdelay $0x3  }
0x9a: {  	_ =	strace s3  }
0x9b: {  	s3 =	sld [smem:$0x3FFD];
	_ =	sdelay $0x3  }
0x9c: {  	_ =	strace s3  }
0x9d: {  	_ =	strace $0x8FFFFFFF  }
0x9e: {  	s18 =	sld [smem:$0x3FDB];
	_ =	sdelay $0x1  }
0x9f: {  	s19 =	simm.s32 $_scs_section_size  }
0xa0: {  	s5 =	simm.s32 $_size__tile_overlayer_lowered;
	s6 =	simm.s32 $_tile_overlayer_lowered  }
0xa1: {  	s22 =	simm.s32 $0x1BFF;
	s21 =	sshll.u32 s6, $0x1;
	s3 =	sadd.s32 s19, s18  }
0xa2: {  	s7 =	simm.s32 $0x0;
	s20 =	sshll.u32 s5, $0x1;
	s5 =	sadd.s32 s21, s3  }
0xa3: {  	[timem:s7], [sflag:s22] =	dma.local [hbm:s5], s20  }
0xa4: {  	_ =	swait.ge [sflag:s22], s20  }
0xa5: {  	s4 =	ssub.s32 $0x0, s20;
	[sflag:s22] =	ssyncset.done $0x0  }
0xa6: {  	[sflag:s22] =	ssyncadd.s32 s4;
	_ =	sdelay $0x1  }
0xa7: {  	s23 =	simm.s32 $0x1B8B  }
0xa8: {  	_ =	swait.ge [sflag:s23], $0x1  }
0xa9: {  	[sflag:s23] =	ssyncset.done $0x0  }
0xaa: {  	s25 =	simm.s32 $0x1B8E;
	s24 =	sld [smem:$0x3FFE];
	[sflag:s23] =	ssyncadd.s32 $0xFFFFFFFF  }
0xab: {  	s26 =	simm.s32 $execute0_lowered;
	[smem:$0x3FD2] =	sst s25  }
0xac: {  	s5 =	sshll.u32 s26, $0x1;
	_ =	strace $0x80000046;
	[dreg:$0x1] =	wrdreg $0xFFFFFFFF  }
0xad: {  	s28 =	simm.s32 $_size_execute0_lowered;
	s3 =	sadd.s32 s3, s5;
	[dreg:$0x0] =	wrdreg $0x0  }
0xae: {  	s5 =	sshll.u32 s28, $0x1;
	[dreg:$0x2] =	wrdreg s3  }
0xaf: {  	[dreg:$0x3] =	wrdreg s5  }
0xb0: {  	[dreg:$0x4] =	wrdreg $0xC0  }
0xb1: {  	_ =	task [dreg:s7], $0x5FFFF  }
0xb2: {  	[dreg:$0x1] =	wrdreg $0xFFFFFFFF  }
0xb3: {  	[dreg:$0x0] =	wrdreg $0x60  }
0xb4: {  	[dreg:$0x2] =	wrdreg s16  }
0xb5: {  	[dreg:$0x3] =	wrdreg s24  }
0xb6: {  	[dreg:$0x4] =	wrdreg $0x9  }
0xb7: {  	_ =	task.clear_ibuf [dreg:s7], $0x5FFFF;
	_ =	strace $0x90000046  }
0xb8: {  	s29 =	simm.s32 $0x9;
	_ =	strace $0x80000048  }
0xb9: {  	_ =	swait.ge [sflag:s29], $0x1  }
0xba: {  	[sflag:s29] =	ssyncadd.s32 $0xFFFFFFFF  }
0xbb: {  	_ =	strace $0x90000048  }
0xbc: {  	_ =	sfence  }
0xbd: {  	s30 =	sld [smem:$0x0];
	_ =	sdelay $0x2  }
0xbe: {  	s31 =	sshll.u32 s1, $0xD;
	s1 =	sshrl.u32 s1, $0x2  }
0xbf: {  	s3 =	sand.u32 $0x4000, s31;
	s1 =	sadd.s32 s1, s30  }
0xc0: {  	s0 =	sor.u32 s3, s0;
	s1 =	sshll.u32 s1, $0x11  }
0xc1: {  	s0 =	sor.u32 s1, s0  }
0xc2: {  	s0 =	sadd.s32 $0x8F2B, s0  }
0xc3: {  	[sflag:s0] =	ssyncadd.remote.s32 $0x1  }
0xc4: {  	_ =	sfence.sel $0xFFFF  }
0xc5: {  	[dreg:$0x0] =	wrdreg $0xFFFFFFFF;
	(pc) =	sbr.abs _section_cstart, $3  }
0xc6: {  	[dreg:$0x1] =	wrdreg $0xFFFFFFFF  }
0xc7: {  	_ =	task.clear_ibuf [dreg:s7], $0x2FFFF;
	_ =	strace $0x9FFFFFFF  }
0xc8: {  	(tm) =	ssettm $0x7FFFFFFF  }
0xc9: {  	_ =	shalt  }
tec
execute0_lowered:
.L_overlay_start_1:
0x0: {  	(tag) =	ssettag $0x1  }
0x1: {  	s1 =	srdreg.scid  }
0x2: {  	s2 =	rddreg [dreg:$0x0];
	s0 =	stileid.u32;
	s14 =	sand.u32 $0x1, s1  }
0x3: {  	s8 =	rddreg [dreg:$0x1];
	s4 =	sshll.u32 s0, $0xC;
	s5 =	sshll.u32 s14, $0xB  }
0x4: {  	s3 =	simm.s32 $0x0;
	s1 =	rddreg [dreg:$0x2];
	s13 =	sor.u32 s5, s4  }
0x5: {  	[smem:$0x7FF] =	sst s3;
	s15 =	sadd.s32 $0x83200, s8;
	s4 =	sshrl.u32 s13, $0x3  }
0x6: {  	_ =	strace $0x80000047;
	s5 =	sadd.s32 s15, s4;
	s4 =	simm.s32 $0x2  }
0x7: {  	[tilespmem:s3], [sflag:$0x2] =	stream.linear.gather [hbm4b:s5+s3], $0x200, $0x38;
	[tilespmem:$0x10200] =	vst v63  }
0x8: {  	_ =	swait.ge [sflag:s4], $0x200  }
0x9: {  	[sflag:s4] =	ssyncset.done $0x0  }
0xa: {  	s6 =	simm.s32 $0x200;
	s7 =	simm.s32 $0x1;
	[sflag:s4] =	ssyncadd.s32 $0xFFFFFE00  }
0xb: {  	[tilespmem:s6], [sflag:$0x1] =	stream.indirect.gather [hbm4b:s2+s6], $0x80, s3, s6, $0xb8;
	[tilespmem:$0x10200] =	vst v63  }
0xc: {  	_ =	swait.ge [sflag:s7], $0x10000  }
0xd: {  	s16 =	sadd.s32 $0x85200, s8;
	s29 =	sshll.u32 s13, $0x4;
	[sflag:s7] =	ssyncset.done $0x0  }
0xe: {  	s8 =	sadd.s32 s16, s29;
	[sflag:s7] =	ssyncadd.s32 $0xFFFF0000  }
0xf: {  	[hbm4b:s8+s3] =	stream.linear.scatter [tilespmem:s6], [sflag:$0x2], $0x10000, $0x38;
	[tilespmem:$0x10200] =	vst v63  }
0x10: {  	s10 =	sor.u32 $0x200, s13;
	_ =	swait.ge [sflag:s4], $0x10000  }
0x11: {  	s9 =	sshrl.u32 s10, $0x3;
	[sflag:s4] =	ssyncset.done $0x0  }
0x12: {  	s9 =	sadd.s32 s15, s9;
	[sflag:s4] =	ssyncadd.s32 $0xFFFF0000  }
0x13: {  	[tilespmem:s3], [sflag:$0x2] =	stream.linear.gather [hbm4b:s9+s3], $0x200, $0x38;
	[tilespmem:$0x10200] =	vst v63  }
0x14: {  	_ =	swait.ge [sflag:s4], $0x200  }
0x15: {  	[sflag:s4] =	ssyncset.done $0x0  }
0x16: {  	[sflag:s4] =	ssyncadd.s32 $0xFFFFFE00  }
0x17: {  	[tilespmem:s6], [sflag:$0x1] =	stream.indirect.gather [hbm4b:s2+s6], $0x80, s3, s6, $0xb8;
	[tilespmem:$0x10200] =	vst v63  }
0x18: {  	_ =	swait.ge [sflag:s7], $0x10000  }
0x19: {  	s10 =	sshll.u32 s10, $0x4;
	[sflag:s7] =	ssyncset.done $0x0  }
0x1a: {  	s10 =	sadd.s32 s16, s10;
	[sflag:s7] =	ssyncadd.s32 $0xFFFF0000  }
0x1b: {  	[hbm4b:s10+s3] =	stream.linear.scatter [tilespmem:s6], [sflag:$0x2], $0x10000, $0x38;
	[tilespmem:$0x10200] =	vst v63  }
0x1c: {  	s12 =	sor.u32 $0x400, s13;
	_ =	swait.ge [sflag:s4], $0x10000  }
0x1d: {  	s11 =	sshrl.u32 s12, $0x3;
	[sflag:s4] =	ssyncset.done $0x0  }
0x1e: {  	s11 =	sadd.s32 s15, s11;
	[sflag:s4] =	ssyncadd.s32 $0xFFFF0000  }
0x1f: {  	[tilespmem:s3], [sflag:$0x2] =	stream.linear.gather [hbm4b:s11+s3], $0x200, $0x38;
	[tilespmem:$0x10200] =	vst v63  }
0x20: {  	_ =	swait.ge [sflag:s4], $0x200  }
0x21: {  	[sflag:s4] =	ssyncset.done $0x0  }
0x22: {  	[sflag:s4] =	ssyncadd.s32 $0xFFFFFE00  }
0x23: {  	[tilespmem:s6], [sflag:$0x1] =	stream.indirect.gather [hbm4b:s2+s6], $0x80, s3, s6, $0xb8;
	[tilespmem:$0x10200] =	vst v63  }
0x24: {  	_ =	swait.ge [sflag:s7], $0x10000  }
0x25: {  	s12 =	sshll.u32 s12, $0x4;
	[sflag:s7] =	ssyncset.done $0x0  }
0x26: {  	s12 =	sadd.s32 s16, s12;
	[sflag:s7] =	ssyncadd.s32 $0xFFFF0000  }
0x27: {  	[hbm4b:s12+s3] =	stream.linear.scatter [tilespmem:s6], [sflag:$0x2], $0x10000, $0x38;
	[tilespmem:$0x10200] =	vst v63  }
0x28: {  	s17 =	sor.u32 $0x600, s13;
	_ =	swait.ge [sflag:s4], $0x10000  }
0x29: {  	s13 =	sshrl.u32 s17, $0x3;
	[sflag:s4] =	ssyncset.done $0x0  }
0x2a: {  	s14 =	ssub.s32 $0x2, s14;
	s13 =	sadd.s32 s15, s13;
	[sflag:s4] =	ssyncadd.s32 $0xFFFF0000  }
0x2b: {  	[tilespmem:s3], [sflag:$0x2] =	stream.linear.gather [hbm4b:s13+s3], $0x200, $0x38;
	[tilespmem:$0x10200] =	vst v63  }
0x2c: {  	s30 =	sshrl.u32 s14, $0x1;
	_ =	swait.ge [sflag:s4], $0x200  }
0x2d: {  	s15 =	ssub.s32 s14, s30;
	[sflag:s4] =	ssyncset.done $0x0  }
0x2e: {  	s15 =	smax.u32 s15, $0x1;
	[sflag:s4] =	ssyncadd.s32 $0xFFFFFE00  }
0x2f: {  	[tilespmem:s6], [sflag:$0x1] =	stream.indirect.gather [hbm4b:s2+s6], $0x80, s3, s6, $0xb8;
	[tilespmem:$0x10200] =	vst v63  }
0x30: {  	p0 =	sne.s32 s15, $0x1;
	_ =	swait.ge [sflag:s7], $0x10000  }
.Ltmp0:
0x31: {  	s31 =	sshll.u32 s17, $0x4;
	[sflag:s7] =	ssyncset.done $0x0;
	(pc) =	sbr.rel @!p0 .LBB2_2-.Ltmp0, $4  }
0x32: {  	s14 =	sadd.s32 s16, s31;
	[sflag:s7] =	ssyncadd.s32 $0xFFFF0000  }
0x33: {  	[hbm4b:s14+s3] =	stream.linear.scatter [tilespmem:s6], [sflag:$0x2], $0x10000, $0x38;
	[tilespmem:$0x10200] =	vst v63  }
0x34: {  	_ =	swait.ge [sflag:s4], $0x10000  }
0x35: {  	s15 =	sadd.s32 $0xFFFFFFFF, s15;
	[sflag:s4] =	ssyncset.done $0x0  }
.LBB2_1:
0x36: {  	p0 =	sne.s32 s15, $0x1;
	s15 =	sadd.s32 $0xFFFFFFFF, s15;
	[sflag:s4] =	ssyncadd.s32 $0xFFFF0000  }
0x37: {  	[tilespmem:s3], [sflag:$0x2] =	stream.linear.gather [hbm4b:s5+s3], $0x200, $0x38;
	[tilespmem:$0x10200] =	vst v63  }
0x38: {  	_ =	swait.ge [sflag:s4], $0x200  }
0x39: {  	[sflag:s4] =	ssyncset.done $0x0  }
0x3a: {  	[sflag:s4] =	ssyncadd.s32 $0xFFFFFE00  }
0x3b: {  	[tilespmem:s6], [sflag:$0x1] =	stream.indirect.gather [hbm4b:s2+s6], $0x80, s3, s6, $0xb8;
	[tilespmem:$0x10200] =	vst v63  }
0x3c: {  	_ =	swait.ge [sflag:s7], $0x10000  }
0x3d: {  	[sflag:s7] =	ssyncset.done $0x0  }
0x3e: {  	[sflag:s7] =	ssyncadd.s32 $0xFFFF0000  }
0x3f: {  	[hbm4b:s8+s3] =	stream.linear.scatter [tilespmem:s6], [sflag:$0x2], $0x10000, $0x38;
	[tilespmem:$0x10200] =	vst v63  }
0x40: {  	_ =	swait.ge [sflag:s4], $0x10000  }
0x41: {  	[sflag:s4] =	ssyncset.done $0x0  }
0x42: {  	[sflag:s4] =	ssyncadd.s32 $0xFFFF0000  }
0x43: {  	[tilespmem:s3], [sflag:$0x2] =	stream.linear.gather [hbm4b:s9+s3], $0x200, $0x38;
	[tilespmem:$0x10200] =	vst v63  }
0x44: {  	_ =	swait.ge [sflag:s4], $0x200  }
0x45: {  	[sflag:s4] =	ssyncset.done $0x0  }
0x46: {  	[sflag:s4] =	ssyncadd.s32 $0xFFFFFE00  }
0x47: {  	[tilespmem:s6], [sflag:$0x1] =	stream.indirect.gather [hbm4b:s2+s6], $0x80, s3, s6, $0xb8;
	[tilespmem:$0x10200] =	vst v63  }
0x48: {  	_ =	swait.ge [sflag:s7], $0x10000  }
0x49: {  	[sflag:s7] =	ssyncset.done $0x0  }
0x4a: {  	[sflag:s7] =	ssyncadd.s32 $0xFFFF0000  }
0x4b: {  	[hbm4b:s10+s3] =	stream.linear.scatter [tilespmem:s6], [sflag:$0x2], $0x10000, $0x38;
	[tilespmem:$0x10200] =	vst v63  }
0x4c: {  	_ =	swait.ge [sflag:s4], $0x10000  }
0x4d: {  	[sflag:s4] =	ssyncset.done $0x0  }
0x4e: {  	[sflag:s4] =	ssyncadd.s32 $0xFFFF0000  }
0x4f: {  	[tilespmem:s3], [sflag:$0x2] =	stream.linear.gather [hbm4b:s11+s3], $0x200, $0x38;
	[tilespmem:$0x10200] =	vst v63  }
0x50: {  	_ =	swait.ge [sflag:s4], $0x200  }
0x51: {  	[sflag:s4] =	ssyncset.done $0x0  }
0x52: {  	[sflag:s4] =	ssyncadd.s32 $0xFFFFFE00  }
0x53: {  	[tilespmem:s6], [sflag:$0x1] =	stream.indirect.gather [hbm4b:s2+s6], $0x80, s3, s6, $0xb8;
	[tilespmem:$0x10200] =	vst v63  }
0x54: {  	_ =	swait.ge [sflag:s7], $0x10000  }
0x55: {  	[sflag:s7] =	ssyncset.done $0x0  }
0x56: {  	[sflag:s7] =	ssyncadd.s32 $0xFFFF0000  }
0x57: {  	[hbm4b:s12+s3] =	stream.linear.scatter [tilespmem:s6], [sflag:$0x2], $0x10000, $0x38;
	[tilespmem:$0x10200] =	vst v63  }
0x58: {  	_ =	swait.ge [sflag:s4], $0x10000  }
0x59: {  	[sflag:s4] =	ssyncset.done $0x0  }
0x5a: {  	[sflag:s4] =	ssyncadd.s32 $0xFFFF0000  }
0x5b: {  	[tilespmem:s3], [sflag:$0x2] =	stream.linear.gather [hbm4b:s13+s3], $0x200, $0x38;
	[tilespmem:$0x10200] =	vst v63  }
0x5c: {  	_ =	swait.ge [sflag:s4], $0x200  }
0x5d: {  	[sflag:s4] =	ssyncset.done $0x0  }
0x5e: {  	[sflag:s4] =	ssyncadd.s32 $0xFFFFFE00  }
0x5f: {  	[tilespmem:s6], [sflag:$0x1] =	stream.indirect.gather [hbm4b:s2+s6], $0x80, s3, s6, $0xb8;
	[tilespmem:$0x10200] =	vst v63  }
0x60: {  	_ =	swait.ge [sflag:s7], $0x10000  }
.Ltmp1:
0x61: {  	[sflag:s7] =	ssyncset.done $0x0;
	(pc) =	sbr.rel @p0 .LBB2_1-.Ltmp1, $4  }
0x62: {  	[sflag:s7] =	ssyncadd.s32 $0xFFFF0000  }
0x63: {  	[hbm4b:s14+s3] =	stream.linear.scatter [tilespmem:s6], [sflag:$0x2], $0x10000, $0x38;
	[tilespmem:$0x10200] =	vst v63  }
0x64: {  	_ =	swait.ge [sflag:s4], $0x10000  }
0x65: {  	[sflag:s4] =	ssyncset.done $0x0  }
.LBB2_2:
0x66: {  	[sflag:s4] =	ssyncadd.s32 $0xFFFF0000  }
0x67: {  	_ =	sfence.sel $0x180000  }
0x68: {  	[bflag:$0x0] =	sbarrier.arrive $0xFFFF  }
0x69: {  	p0 =	sne.s32 s0, $0x0;
	_ =	strace $0x90000047  }
0x6a: {  	s0 =	sadd.s32 @!p0 $0x100000, s1;
	[bflag:$0x2] =	sbarrier.arrive $0xFFFF  }
0x6b: {  	[sflag:s0] =	ssyncadd.tile.s32 @!p0 $0x1;
	_ =	shalt  }
.Lfunc_end2:
_tile_overlayer_lowered:
.L_overlay_start_2:
0x6c: {  	(tag) =	ssettag $0x2  }
0x6d: {  	s0 =	rddreg [dreg:$0x0];
	s2 =	stileid.u32  }
0x6e: {  	s1 =	rddreg [dreg:$0x1];
	p0 =	sne.s32 s2, $0x0  }
0x6f: {  	s3 =	rddreg [dreg:$0x2];
	[bflag:$0x3] =	sbarrier.arrive $0xFFFF;
	s2 =	simm.s32 @!p0 $0x1C02  }
0x70: {  	[timem:s3], [sflag:s2] =	dma.local @!p0 [hbm:s0], s1  }
0x71: {  	s0 =	simm.s32 @!p0 $0x2  }
0x72: {  	_ =	swait.ge @!p0 [sflag:s0], s1  }
0x73: {  	s1 =	ssub.s32 @!p0 $0x0, s1;
	[sflag:s0] =	ssyncset.done @!p0 $0x0  }
0x74: {  	[sflag:s0] =	ssyncadd.s32 @!p0 s1  }
0x75: {  	[bflag:$0x3] =	sbarrier.arrive $0xFFFF  }
0x76: {  	_ =	shalt  }

</sc_bundles>
